<compile_context>
chip_gen: v7x
topology: tpu7x:2x2x1
jax: 0.10.2.dev20260603
libtpu: 0.0.44.dev20260713+nightly
codegen_flags: <defaults>
</compile_context>

<pallas_src>
import functools

import jax
import jax.numpy as jnp
from jax import lax
from jax.experimental import pallas as pl
from jax.experimental.pallas import tpu as pltpu
from jax.experimental.pallas import tpu_sc as plsc

_VOCAB = 1000000
_DIM = 32
_BATCH = 16384

_NC = 2
_NS = 16
_NW = _NC * _NS
_B_PER_W = _BATCH // _NW
_GROUP = 16
_N_GROUPS = _B_PER_W // _GROUP
_L = 16

_mesh = plsc.VectorSubcoreMesh(core_axis_name="c", subcore_axis_name="s")


@functools.partial(
    pl.kernel,
    mesh=_mesh,
    out_type=jax.ShapeDtypeStruct((_DIM, _BATCH), jnp.float32),
    scratch_types=[
        pltpu.VMEM((_B_PER_W,), jnp.int32),
        pltpu.VMEM((_B_PER_W, _DIM), jnp.float32),
        pltpu.VMEM((_DIM, _B_PER_W), jnp.float32),
        pltpu.SemaphoreType.DMA,
    ],
    compiler_params=pltpu.CompilerParams(needs_layout_passes=False),
)
def _gather_kernel(idx_hbm, table_hbm, outT_hbm, idx_v, rows_v, colsT_v, sem):
    wid = lax.axis_index("s") * _NC + lax.axis_index("c")
    base = wid * _B_PER_W
    pltpu.sync_copy(idx_hbm.at[pl.ds(base, _B_PER_W)], idx_v)

    def issue_group(g):
        r0 = g * _GROUP
        idx16 = idx_v[pl.ds(r0, _GROUP)]
        for lane in range(_GROUP):
            i = idx16[lane]
            pltpu.async_copy(
                table_hbm.at[pl.ds(i, 1)],
                rows_v.at[pl.ds(r0 + lane, 1)],
                sem,
            )

    def drain_group(g):
        pltpu.make_async_copy(
            table_hbm.at[pl.ds(0, _GROUP)],
            rows_v.at[pl.ds(g * _GROUP, _GROUP)],
            sem,
        ).wait()

    issue_group(0)

    def body(g, carry):
        issue_group(g)
        drain_group(g - 1)
        return carry

    lax.fori_loop(1, _N_GROUPS, body, 0)
    drain_group(_N_GROUPS - 1)

    def tbody(r, carry):
        col = jnp.full((_L,), r, jnp.int32)
        for c0 in (0, 16):
            v = rows_v[r, pl.ds(c0, _L)]
            rowsel = lax.iota(jnp.int32, _L) + c0
            plsc.store_scatter(colsT_v, [rowsel, col], v)
        return carry

    lax.fori_loop(0, _B_PER_W, tbody, 0)

    o0 = pl.multiple_of(base, 128)
    pltpu.sync_copy(colsT_v, outT_hbm.at[:, pl.ds(o0, _B_PER_W)])


def kernel(nodes, ordered_embs):
    idx = jnp.reshape(nodes.astype(jnp.int32), (_BATCH,))
    outT = _gather_kernel(idx, ordered_embs)
    return outT.T

# --- scband reference (transcript-rebuilt; emitter-appended) ---
"""Pipeline reference for scband-pretrained-graph-encoder-16114717294943 (READ-ONLY COPY).

The authoritative reference and input builder live on the scoring server;
editing this copy changes nothing except your own understanding.
"""

import jax, jax.numpy as jnp
import numpy as np

VOCAB = 1000000
EMBED_DIM = 32
BATCH = 16384

def setup_inputs(seed: int = 0) -> dict:
    key = jax.random.key(seed)
    k1, k2 = jax.random.split(key)
    ordered_embs = jax.random.normal(k1, (VOCAB, EMBED_DIM), dtype=jnp.float32)
    nodes = jax.random.randint(k2, (BATCH, 1), 0, VOCAB, dtype=jnp.int64 if jax.config.read('jax_enable_x64') else jnp.int32)
    return {"nodes": nodes, "ordered_embs": ordered_embs}

def reference(nodes, ordered_embs):
    # PretrainedGraphEncoder.forward: self.ordered_embs[nodes].squeeze(1)
    gathered = jnp.take(ordered_embs, nodes, axis=0)  # [B, 1, D]
    out = jnp.squeeze(gathered, axis=1)               # [B, D]
    return out

if False:  # reference __main__ guard neutralized (emitter)
    inp = setup_inputs()
    out = reference(**inp)
    print(out.shape, out.dtype)

if __name__ == "__main__":
    import jax
    _d = setup_inputs()
    print(jax.jit(kernel)(*tuple(_d.values())))

</pallas_src>

<mosaic_0001>
#map = affine_map<(d0, d1) -> (0)>
#map1 = affine_map<(d0, d1) -> (0, 0)>
module attributes {stable_mosaic.version = 14 : i64} {
  func.func @_gather_kernel(%arg0: i32, %arg1: i32, %arg2: memref<16384xi32, #tpu.memory_space<hbm>>, %arg3: memref<1000000x32xf32, #tpu.memory_space<hbm>>, %arg4: memref<32x16384xf32, #tpu.memory_space<hbm>>, %arg5: memref<512xi32, #tpu.memory_space<vmem>>, %arg6: memref<512x32xf32, #tpu.memory_space<vmem>>, %arg7: memref<32x512xf32, #tpu.memory_space<vmem>>, %arg8: memref<!tpu.dma_semaphore, #tpu.memory_space<semaphore_mem>>) attributes {dimension_semantics = [#tpu.dimension_semantics<core_parallel>, #tpu.dimension_semantics<subcore_parallel>], iteration_bounds = array<i64: 2, 16>, scalar_prefetch = 0 : i64, scratch_operands = 4 : i64, tpu.core_type = #tpu.core_type<sc_vector_subcore>, window_params = [{transform_indices = #map}, {transform_indices = #map1}, {transform_indices = #map1}]} {
    %mul3A = arith.constant 2 : i32
    %mul3A_0 = arith.muli %arg1, %mul3A : i32
    %add3A = arith.addi %mul3A_0, %arg0 : i32
    %mul3A_1 = arith.constant 512 : i32
    %mul3A_2 = arith.muli %add3A, %mul3A_1 : i32
    "tpu.region"() ({
      %run_scoped3A = tpu.sem_alloc : memref<!tpu.dma_semaphore, #tpu.memory_space<semaphore_mem>>
      %dma_start3A_215 = tpu.memref_slice %arg2[%mul3A_2] : memref<16384xi32, #tpu.memory_space<hbm>> -> memref<512xi32, #tpu.memory_space<hbm>>
      %dma_start3A_216 = tpu.memref_slice %arg2[%mul3A_2] : memref<16384xi32, #tpu.memory_space<hbm>> -> memref<512xi32, #tpu.memory_space<hbm>>
      tpu.enqueue_dma source(%dma_start3A_216 : memref<512xi32, #tpu.memory_space<hbm>>) target(%arg5 : memref<512xi32, #tpu.memory_space<vmem>>) target_semaphore(%run_scoped3A : memref<!tpu.dma_semaphore, #tpu.memory_space<semaphore_mem>>)
      %dma_wait3A_217 = tpu.memref_slice %arg2[%mul3A_2] : memref<16384xi32, #tpu.memory_space<hbm>> -> memref<512xi32, #tpu.memory_space<hbm>>
      %dma_wait3A_218 = tpu.memref_slice %arg2[%mul3A_2] : memref<16384xi32, #tpu.memory_space<hbm>> -> memref<512xi32, #tpu.memory_space<hbm>>
      tpu.wait_dma2 semaphore(%run_scoped3A : memref<!tpu.dma_semaphore, #tpu.memory_space<semaphore_mem>>) src(%dma_wait3A_218 : memref<512xi32, #tpu.memory_space<hbm>>) dst(%arg5 : memref<512xi32, #tpu.memory_space<vmem>>)
      tpu.yield
    }) : () -> ()
    %get3A = arith.constant 0 : index
    %get3A_3 = tpu.vector_load %arg5[%get3A] {strides = array<i32>} : memref<512xi32, #tpu.memory_space<vmem>>, vector<16xi32>,
    %slice3A = vector.extract_strided_slice %get3A_3 {offsets = [0], sizes = [1], strides = [1]} : vector<16xi32> to vector<1xi32>
    %squeeze3A = vector.extract %slice3A[0] : i32 from vector<1xi32>
    %dma_start3A = arith.constant 0 : i32
    %dma_start3A_4 = arith.constant 0 : i32
    %dma_start3A_5 = tpu.memref_slice %arg6[%dma_start3A, %dma_start3A_4] : memref<512x32xf32, #tpu.memory_space<vmem>> -> memref<1x32xf32, #tpu.memory_space<vmem>>
    %dma_start3A_6 = arith.constant 0 : i32
    %dma_start3A_7 = tpu.memref_slice %arg3[%squeeze3A, %dma_start3A_6] : memref<1000000x32xf32, #tpu.memory_space<hbm>> -> memref<1x32xf32, #tpu.memory_space<hbm>>
    %dma_start3A_8 = arith.constant 0 : i32
    %dma_start3A_9 = arith.constant 0 : i32
    %dma_start3A_10 = tpu.memref_slice %arg6[%dma_start3A_8, %dma_start3A_9] : memref<512x32xf32, #tpu.memory_space<vmem>> -> memref<1x32xf32, #tpu.memory_space<vmem>>
    %dma_start3A_11 = arith.constant 0 : i32
    %dma_start3A_12 = tpu.memref_slice %arg3[%squeeze3A, %dma_start3A_11] : memref<1000000x32xf32, #tpu.memory_space<hbm>> -> memref<1x32xf32, #tpu.memory_space<hbm>>
    tpu.enqueue_dma source(%dma_start3A_12 : memref<1x32xf32, #tpu.memory_space<hbm>>) target(%dma_start3A_10 : memref<1x32xf32, #tpu.memory_space<vmem>>) target_semaphore(%arg8 : memref<!tpu.dma_semaphore, #tpu.memory_space<semaphore_mem>>)
    %slice3A_13 = vector.extract_strided_slice %get3A_3 {offsets = [1], sizes = [1], strides = [1]} : vector<16xi32> to vector<1xi32>
    %squeeze3A_14 = vector.extract %slice3A_13[0] : i32 from vector<1xi32>
    %dma_start3A_15 = arith.constant 1 : i32
    %dma_start3A_16 = arith.constant 0 : i32
    %dma_start3A_17 = tpu.memref_slice %arg6[%dma_start3A_15, %dma_start3A_16] : memref<512x32xf32, #tpu.memory_space<vmem>> -> memref<1x32xf32, #tpu.memory_space<vmem>>
    %dma_start3A_18 = arith.constant 0 : i32
    %dma_start3A_19 = tpu.memref_slice %arg3[%squeeze3A_14, %dma_start3A_18] : memref<1000000x32xf32, #tpu.memory_space<hbm>> -> memref<1x32xf32, #tpu.memory_space<hbm>>
    %dma_start3A_20 = arith.constant 1 : i32
    %dma_start3A_21 = arith.constant 0 : i32
    %dma_start3A_22 = tpu.memref_slice %arg6[%dma_start3A_20, %dma_start3A_21] : memref<512x32xf32, #tpu.memory_space<vmem>> -> memref<1x32xf32, #tpu.memory_space<vmem>>
    %dma_start3A_23 = arith.constant 0 : i32
    %dma_start3A_24 = tpu.memref_slice %arg3[%squeeze3A_14, %dma_start3A_23] : memref<1000000x32xf32, #tpu.memory_space<hbm>> -> memref<1x32xf32, #tpu.memory_space<hbm>>
    tpu.enqueue_dma source(%dma_start3A_24 : memref<1x32xf32, #tpu.memory_space<hbm>>) target(%dma_start3A_22 : memref<1x32xf32, #tpu.memory_space<vmem>>) target_semaphore(%arg8 : memref<!tpu.dma_semaphore, #tpu.memory_space<semaphore_mem>>)
    %slice3A_25 = vector.extract_strided_slice %get3A_3 {offsets = [2], sizes = [1], strides = [1]} : vector<16xi32> to vector<1xi32>
    %squeeze3A_26 = vector.extract %slice3A_25[0] : i32 from vector<1xi32>
    %dma_start3A_27 = arith.constant 2 : i32
    %dma_start3A_28 = arith.constant 0 : i32
    %dma_start3A_29 = tpu.memref_slice %arg6[%dma_start3A_27, %dma_start3A_28] : memref<512x32xf32, #tpu.memory_space<vmem>> -> memref<1x32xf32, #tpu.memory_space<vmem>>
    %dma_start3A_30 = arith.constant 0 : i32
    %dma_start3A_31 = tpu.memref_slice %arg3[%squeeze3A_26, %dma_start3A_30] : memref<1000000x32xf32, #tpu.memory_space<hbm>> -> memref<1x32xf32, #tpu.memory_space<hbm>>
    %dma_start3A_32 = arith.constant 2 : i32
    %dma_start3A_33 = arith.constant 0 : i32
    %dma_start3A_34 = tpu.memref_slice %arg6[%dma_start3A_32, %dma_start3A_33] : memref<512x32xf32, #tpu.memory_space<vmem>> -> memref<1x32xf32, #tpu.memory_space<vmem>>
    %dma_start3A_35 = arith.constant 0 : i32
    %dma_start3A_36 = tpu.memref_slice %arg3[%squeeze3A_26, %dma_start3A_35] : memref<1000000x32xf32, #tpu.memory_space<hbm>> -> memref<1x32xf32, #tpu.memory_space<hbm>>
    tpu.enqueue_dma source(%dma_start3A_36 : memref<1x32xf32, #tpu.memory_space<hbm>>) target(%dma_start3A_34 : memref<1x32xf32, #tpu.memory_space<vmem>>) target_semaphore(%arg8 : memref<!tpu.dma_semaphore, #tpu.memory_space<semaphore_mem>>)
    %slice3A_37 = vector.extract_strided_slice %get3A_3 {offsets = [3], sizes = [1], strides = [1]} : vector<16xi32> to vector<1xi32>
    %squeeze3A_38 = vector.extract %slice3A_37[0] : i32 from vector<1xi32>
    %dma_start3A_39 = arith.constant 3 : i32
    %dma_start3A_40 = arith.constant 0 : i32
    %dma_start3A_41 = tpu.memref_slice %arg6[%dma_start3A_39, %dma_start3A_40] : memref<512x32xf32, #tpu.memory_space<vmem>> -> memref<1x32xf32, #tpu.memory_space<vmem>>
    %dma_start3A_42 = arith.constant 0 : i32
    %dma_start3A_43 = tpu.memref_slice %arg3[%squeeze3A_38, %dma_start3A_42] : memref<1000000x32xf32, #tpu.memory_space<hbm>> -> memref<1x32xf32, #tpu.memory_space<hbm>>
    %dma_start3A_44 = arith.constant 3 : i32
    %dma_start3A_45 = arith.constant 0 : i32
    %dma_start3A_46 = tpu.memref_slice %arg6[%dma_start3A_44, %dma_start3A_45] : memref<512x32xf32, #tpu.memory_space<vmem>> -> memref<1x32xf32, #tpu.memory_space<vmem>>
    %dma_start3A_47 = arith.constant 0 : i32
    %dma_start3A_48 = tpu.memref_slice %arg3[%squeeze3A_38, %dma_start3A_47] : memref<1000000x32xf32, #tpu.memory_space<hbm>> -> memref<1x32xf32, #tpu.memory_space<hbm>>
    tpu.enqueue_dma source(%dma_start3A_48 : memref<1x32xf32, #tpu.memory_space<hbm>>) target(%dma_start3A_46 : memref<1x32xf32, #tpu.memory_space<vmem>>) target_semaphore(%arg8 : memref<!tpu.dma_semaphore, #tpu.memory_space<semaphore_mem>>)
    %slice3A_49 = vector.extract_strided_slice %get3A_3 {offsets = [4], sizes = [1], strides = [1]} : vector<16xi32> to vector<1xi32>
    %squeeze3A_50 = vector.extract %slice3A_49[0] : i32 from vector<1xi32>
    %dma_start3A_51 = arith.constant 4 : i32
    %dma_start3A_52 = arith.constant 0 : i32
    %dma_start3A_53 = tpu.memref_slice %arg6[%dma_start3A_51, %dma_start3A_52] : memref<512x32xf32, #tpu.memory_space<vmem>> -> memref<1x32xf32, #tpu.memory_space<vmem>>
    %dma_start3A_54 = arith.constant 0 : i32
    %dma_start3A_55 = tpu.memref_slice %arg3[%squeeze3A_50, %dma_start3A_54] : memref<1000000x32xf32, #tpu.memory_space<hbm>> -> memref<1x32xf32, #tpu.memory_space<hbm>>
    %dma_start3A_56 = arith.constant 4 : i32
    %dma_start3A_57 = arith.constant 0 : i32
    %dma_start3A_58 = tpu.memref_slice %arg6[%dma_start3A_56, %dma_start3A_57] : memref<512x32xf32, #tpu.memory_space<vmem>> -> memref<1x32xf32, #tpu.memory_space<vmem>>
    %dma_start3A_59 = arith.constant 0 : i32
    %dma_start3A_60 = tpu.memref_slice %arg3[%squeeze3A_50, %dma_start3A_59] : memref<1000000x32xf32, #tpu.memory_space<hbm>> -> memref<1x32xf32, #tpu.memory_space<hbm>>
    tpu.enqueue_dma source(%dma_start3A_60 : memref<1x32xf32, #tpu.memory_space<hbm>>) target(%dma_start3A_58 : memref<1x32xf32, #tpu.memory_space<vmem>>) target_semaphore(%arg8 : memref<!tpu.dma_semaphore, #tpu.memory_space<semaphore_mem>>)
    %slice3A_61 = vector.extract_strided_slice %get3A_3 {offsets = [5], sizes = [1], strides = [1]} : vector<16xi32> to vector<1xi32>
    %squeeze3A_62 = vector.extract %slice3A_61[0] : i32 from vector<1xi32>
    %dma_start3A_63 = arith.constant 5 : i32
    %dma_start3A_64 = arith.constant 0 : i32
    %dma_start3A_65 = tpu.memref_slice %arg6[%dma_start3A_63, %dma_start3A_64] : memref<512x32xf32, #tpu.memory_space<vmem>> -> memref<1x32xf32, #tpu.memory_space<vmem>>
    %dma_start3A_66 = arith.constant 0 : i32
    %dma_start3A_67 = tpu.memref_slice %arg3[%squeeze3A_62, %dma_start3A_66] : memref<1000000x32xf32, #tpu.memory_space<hbm>> -> memref<1x32xf32, #tpu.memory_space<hbm>>
    %dma_start3A_68 = arith.constant 5 : i32
    %dma_start3A_69 = arith.constant 0 : i32
    %dma_start3A_70 = tpu.memref_slice %arg6[%dma_start3A_68, %dma_start3A_69] : memref<512x32xf32, #tpu.memory_space<vmem>> -> memref<1x32xf32, #tpu.memory_space<vmem>>
    %dma_start3A_71 = arith.constant 0 : i32
    %dma_start3A_72 = tpu.memref_slice %arg3[%squeeze3A_62, %dma_start3A_71] : memref<1000000x32xf32, #tpu.memory_space<hbm>> -> memref<1x32xf32, #tpu.memory_space<hbm>>
    tpu.enqueue_dma source(%dma_start3A_72 : memref<1x32xf32, #tpu.memory_space<hbm>>) target(%dma_start3A_70 : memref<1x32xf32, #tpu.memory_space<vmem>>) target_semaphore(%arg8 : memref<!tpu.dma_semaphore, #tpu.memory_space<semaphore_mem>>)
    %slice3A_73 = vector.extract_strided_slice %get3A_3 {offsets = [6], sizes = [1], strides = [1]} : vector<16xi32> to vector<1xi32>
    %squeeze3A_74 = vector.extract %slice3A_73[0] : i32 from vector<1xi32>
    %dma_start3A_75 = arith.constant 6 : i32
    %dma_start3A_76 = arith.constant 0 : i32
    %dma_start3A_77 = tpu.memref_slice %arg6[%dma_start3A_75, %dma_start3A_76] : memref<512x32xf32, #tpu.memory_space<vmem>> -> memref<1x32xf32, #tpu.memory_space<vmem>>
    %dma_start3A_78 = arith.constant 0 : i32
    %dma_start3A_79 = tpu.memref_slice %arg3[%squeeze3A_74, %dma_start3A_78] : memref<1000000x32xf32, #tpu.memory_space<hbm>> -> memref<1x32xf32, #tpu.memory_space<hbm>>
    %dma_start3A_80 = arith.constant 6 : i32
    %dma_start3A_81 = arith.constant 0 : i32
    %dma_start3A_82 = tpu.memref_slice %arg6[%dma_start3A_80, %dma_start3A_81] : memref<512x32xf32, #tpu.memory_space<vmem>> -> memref<1x32xf32, #tpu.memory_space<vmem>>
    %dma_start3A_83 = arith.constant 0 : i32
    %dma_start3A_84 = tpu.memref_slice %arg3[%squeeze3A_74, %dma_start3A_83] : memref<1000000x32xf32, #tpu.memory_space<hbm>> -> memref<1x32xf32, #tpu.memory_space<hbm>>
    tpu.enqueue_dma source(%dma_start3A_84 : memref<1x32xf32, #tpu.memory_space<hbm>>) target(%dma_start3A_82 : memref<1x32xf32, #tpu.memory_space<vmem>>) target_semaphore(%arg8 : memref<!tpu.dma_semaphore, #tpu.memory_space<semaphore_mem>>)
    %slice3A_85 = vector.extract_strided_slice %get3A_3 {offsets = [7], sizes = [1], strides = [1]} : vector<16xi32> to vector<1xi32>
    %squeeze3A_86 = vector.extract %slice3A_85[0] : i32 from vector<1xi32>
    %dma_start3A_87 = arith.constant 7 : i32
    %dma_start3A_88 = arith.constant 0 : i32
    %dma_start3A_89 = tpu.memref_slice %arg6[%dma_start3A_87, %dma_start3A_88] : memref<512x32xf32, #tpu.memory_space<vmem>> -> memref<1x32xf32, #tpu.memory_space<vmem>>
    %dma_start3A_90 = arith.constant 0 : i32
    %dma_start3A_91 = tpu.memref_slice %arg3[%squeeze3A_86, %dma_start3A_90] : memref<1000000x32xf32, #tpu.memory_space<hbm>> -> memref<1x32xf32, #tpu.memory_space<hbm>>
    %dma_start3A_92 = arith.constant 7 : i32
    %dma_start3A_93 = arith.constant 0 : i32
    %dma_start3A_94 = tpu.memref_slice %arg6[%dma_start3A_92, %dma_start3A_93] : memref<512x32xf32, #tpu.memory_space<vmem>> -> memref<1x32xf32, #tpu.memory_space<vmem>>
    %dma_start3A_95 = arith.constant 0 : i32
    %dma_start3A_96 = tpu.memref_slice %arg3[%squeeze3A_86, %dma_start3A_95] : memref<1000000x32xf32, #tpu.memory_space<hbm>> -> memref<1x32xf32, #tpu.memory_space<hbm>>
    tpu.enqueue_dma source(%dma_start3A_96 : memref<1x32xf32, #tpu.memory_space<hbm>>) target(%dma_start3A_94 : memref<1x32xf32, #tpu.memory_space<vmem>>) target_semaphore(%arg8 : memref<!tpu.dma_semaphore, #tpu.memory_space<semaphore_mem>>)
    %slice3A_97 = vector.extract_strided_slice %get3A_3 {offsets = [8], sizes = [1], strides = [1]} : vector<16xi32> to vector<1xi32>
    %squeeze3A_98 = vector.extract %slice3A_97[0] : i32 from vector<1xi32>
    %dma_start3A_99 = arith.constant 8 : i32
    %dma_start3A_100 = arith.constant 0 : i32
    %dma_start3A_101 = tpu.memref_slice %arg6[%dma_start3A_99, %dma_start3A_100] : memref<512x32xf32, #tpu.memory_space<vmem>> -> memref<1x32xf32, #tpu.memory_space<vmem>>
    %dma_start3A_102 = arith.constant 0 : i32
    %dma_start3A_103 = tpu.memref_slice %arg3[%squeeze3A_98, %dma_start3A_102] : memref<1000000x32xf32, #tpu.memory_space<hbm>> -> memref<1x32xf32, #tpu.memory_space<hbm>>
    %dma_start3A_104 = arith.constant 8 : i32
    %dma_start3A_105 = arith.constant 0 : i32
    %dma_start3A_106 = tpu.memref_slice %arg6[%dma_start3A_104, %dma_start3A_105] : memref<512x32xf32, #tpu.memory_space<vmem>> -> memref<1x32xf32, #tpu.memory_space<vmem>>
    %dma_start3A_107 = arith.constant 0 : i32
    %dma_start3A_108 = tpu.memref_slice %arg3[%squeeze3A_98, %dma_start3A_107] : memref<1000000x32xf32, #tpu.memory_space<hbm>> -> memref<1x32xf32, #tpu.memory_space<hbm>>
    tpu.enqueue_dma source(%dma_start3A_108 : memref<1x32xf32, #tpu.memory_space<hbm>>) target(%dma_start3A_106 : memref<1x32xf32, #tpu.memory_space<vmem>>) target_semaphore(%arg8 : memref<!tpu.dma_semaphore, #tpu.memory_space<semaphore_mem>>)
    %slice3A_109 = vector.extract_strided_slice %get3A_3 {offsets = [9], sizes = [1], strides = [1]} : vector<16xi32> to vector<1xi32>
    %squeeze3A_110 = vector.extract %slice3A_109[0] : i32 from vector<1xi32>
    %dma_start3A_111 = arith.constant 9 : i32
    %dma_start3A_112 = arith.constant 0 : i32
    %dma_start3A_113 = tpu.memref_slice %arg6[%dma_start3A_111, %dma_start3A_112] : memref<512x32xf32, #tpu.memory_space<vmem>> -> memref<1x32xf32, #tpu.memory_space<vmem>>
    %dma_start3A_114 = arith.constant 0 : i32
    %dma_start3A_115 = tpu.memref_slice %arg3[%squeeze3A_110, %dma_start3A_114] : memref<1000000x32xf32, #tpu.memory_space<hbm>> -> memref<1x32xf32, #tpu.memory_space<hbm>>
    %dma_start3A_116 = arith.constant 9 : i32
    %dma_start3A_117 = arith.constant 0 : i32
    %dma_start3A_118 = tpu.memref_slice %arg6[%dma_start3A_116, %dma_start3A_117] : memref<512x32xf32, #tpu.memory_space<vmem>> -> memref<1x32xf32, #tpu.memory_space<vmem>>
    %dma_start3A_119 = arith.constant 0 : i32
    %dma_start3A_120 = tpu.memref_slice %arg3[%squeeze3A_110, %dma_start3A_119] : memref<1000000x32xf32, #tpu.memory_space<hbm>> -> memref<1x32xf32, #tpu.memory_space<hbm>>
    tpu.enqueue_dma source(%dma_start3A_120 : memref<1x32xf32, #tpu.memory_space<hbm>>) target(%dma_start3A_118 : memref<1x32xf32, #tpu.memory_space<vmem>>) target_semaphore(%arg8 : memref<!tpu.dma_semaphore, #tpu.memory_space<semaphore_mem>>)
    %slice3A_121 = vector.extract_strided_slice %get3A_3 {offsets = [10], sizes = [1], strides = [1]} : vector<16xi32> to vector<1xi32>
    %squeeze3A_122 = vector.extract %slice3A_121[0] : i32 from vector<1xi32>
    %dma_start3A_123 = arith.constant 10 : i32
    %dma_start3A_124 = arith.constant 0 : i32
    %dma_start3A_125 = tpu.memref_slice %arg6[%dma_start3A_123, %dma_start3A_124] : memref<512x32xf32, #tpu.memory_space<vmem>> -> memref<1x32xf32, #tpu.memory_space<vmem>>
    %dma_start3A_126 = arith.constant 0 : i32
    %dma_start3A_127 = tpu.memref_slice %arg3[%squeeze3A_122, %dma_start3A_126] : memref<1000000x32xf32, #tpu.memory_space<hbm>> -> memref<1x32xf32, #tpu.memory_space<hbm>>
    %dma_start3A_128 = arith.constant 10 : i32
    %dma_start3A_129 = arith.constant 0 : i32
    %dma_start3A_130 = tpu.memref_slice %arg6[%dma_start3A_128, %dma_start3A_129] : memref<512x32xf32, #tpu.memory_space<vmem>> -> memref<1x32xf32, #tpu.memory_space<vmem>>
    %dma_start3A_131 = arith.constant 0 : i32
    %dma_start3A_132 = tpu.memref_slice %arg3[%squeeze3A_122, %dma_start3A_131] : memref<1000000x32xf32, #tpu.memory_space<hbm>> -> memref<1x32xf32, #tpu.memory_space<hbm>>
    tpu.enqueue_dma source(%dma_start3A_132 : memref<1x32xf32, #tpu.memory_space<hbm>>) target(%dma_start3A_130 : memref<1x32xf32, #tpu.memory_space<vmem>>) target_semaphore(%arg8 : memref<!tpu.dma_semaphore, #tpu.memory_space<semaphore_mem>>)
    %slice3A_133 = vector.extract_strided_slice %get3A_3 {offsets = [11], sizes = [1], strides = [1]} : vector<16xi32> to vector<1xi32>
    %squeeze3A_134 = vector.extract %slice3A_133[0] : i32 from vector<1xi32>
    %dma_start3A_135 = arith.constant 11 : i32
    %dma_start3A_136 = arith.constant 0 : i32
    %dma_start3A_137 = tpu.memref_slice %arg6[%dma_start3A_135, %dma_start3A_136] : memref<512x32xf32, #tpu.memory_space<vmem>> -> memref<1x32xf32, #tpu.memory_space<vmem>>
    %dma_start3A_138 = arith.constant 0 : i32
    %dma_start3A_139 = tpu.memref_slice %arg3[%squeeze3A_134, %dma_start3A_138] : memref<1000000x32xf32, #tpu.memory_space<hbm>> -> memref<1x32xf32, #tpu.memory_space<hbm>>
    %dma_start3A_140 = arith.constant 11 : i32
    %dma_start3A_141 = arith.constant 0 : i32
    %dma_start3A_142 = tpu.memref_slice %arg6[%dma_start3A_140, %dma_start3A_141] : memref<512x32xf32, #tpu.memory_space<vmem>> -> memref<1x32xf32, #tpu.memory_space<vmem>>
    %dma_start3A_143 = arith.constant 0 : i32
    %dma_start3A_144 = tpu.memref_slice %arg3[%squeeze3A_134, %dma_start3A_143] : memref<1000000x32xf32, #tpu.memory_space<hbm>> -> memref<1x32xf32, #tpu.memory_space<hbm>>
    tpu.enqueue_dma source(%dma_start3A_144 : memref<1x32xf32, #tpu.memory_space<hbm>>) target(%dma_start3A_142 : memref<1x32xf32, #tpu.memory_space<vmem>>) target_semaphore(%arg8 : memref<!tpu.dma_semaphore, #tpu.memory_space<semaphore_mem>>)
    %slice3A_145 = vector.extract_strided_slice %get3A_3 {offsets = [12], sizes = [1], strides = [1]} : vector<16xi32> to vector<1xi32>
    %squeeze3A_146 = vector.extract %slice3A_145[0] : i32 from vector<1xi32>
    %dma_start3A_147 = arith.constant 12 : i32
    %dma_start3A_148 = arith.constant 0 : i32
    %dma_start3A_149 = tpu.memref_slice %arg6[%dma_start3A_147, %dma_start3A_148] : memref<512x32xf32, #tpu.memory_space<vmem>> -> memref<1x32xf32, #tpu.memory_space<vmem>>
    %dma_start3A_150 = arith.constant 0 : i32
    %dma_start3A_151 = tpu.memref_slice %arg3[%squeeze3A_146, %dma_start3A_150] : memref<1000000x32xf32, #tpu.memory_space<hbm>> -> memref<1x32xf32, #tpu.memory_space<hbm>>
    %dma_start3A_152 = arith.constant 12 : i32
    %dma_start3A_153 = arith.constant 0 : i32
    %dma_start3A_154 = tpu.memref_slice %arg6[%dma_start3A_152, %dma_start3A_153] : memref<512x32xf32, #tpu.memory_space<vmem>> -> memref<1x32xf32, #tpu.memory_space<vmem>>
    %dma_start3A_155 = arith.constant 0 : i32
    %dma_start3A_156 = tpu.memref_slice %arg3[%squeeze3A_146, %dma_start3A_155] : memref<1000000x32xf32, #tpu.memory_space<hbm>> -> memref<1x32xf32, #tpu.memory_space<hbm>>
    tpu.enqueue_dma source(%dma_start3A_156 : memref<1x32xf32, #tpu.memory_space<hbm>>) target(%dma_start3A_154 : memref<1x32xf32, #tpu.memory_space<vmem>>) target_semaphore(%arg8 : memref<!tpu.dma_semaphore, #tpu.memory_space<semaphore_mem>>)
    %slice3A_157 = vector.extract_strided_slice %get3A_3 {offsets = [13], sizes = [1], strides = [1]} : vector<16xi32> to vector<1xi32>
    %squeeze3A_158 = vector.extract %slice3A_157[0] : i32 from vector<1xi32>
    %dma_start3A_159 = arith.constant 13 : i32
    %dma_start3A_160 = arith.constant 0 : i32
    %dma_start3A_161 = tpu.memref_slice %arg6[%dma_start3A_159, %dma_start3A_160] : memref<512x32xf32, #tpu.memory_space<vmem>> -> memref<1x32xf32, #tpu.memory_space<vmem>>
    %dma_start3A_162 = arith.constant 0 : i32
    %dma_start3A_163 = tpu.memref_slice %arg3[%squeeze3A_158, %dma_start3A_162] : memref<1000000x32xf32, #tpu.memory_space<hbm>> -> memref<1x32xf32, #tpu.memory_space<hbm>>
    %dma_start3A_164 = arith.constant 13 : i32
    %dma_start3A_165 = arith.constant 0 : i32
    %dma_start3A_166 = tpu.memref_slice %arg6[%dma_start3A_164, %dma_start3A_165] : memref<512x32xf32, #tpu.memory_space<vmem>> -> memref<1x32xf32, #tpu.memory_space<vmem>>
    %dma_start3A_167 = arith.constant 0 : i32
    %dma_start3A_168 = tpu.memref_slice %arg3[%squeeze3A_158, %dma_start3A_167] : memref<1000000x32xf32, #tpu.memory_space<hbm>> -> memref<1x32xf32, #tpu.memory_space<hbm>>
    tpu.enqueue_dma source(%dma_start3A_168 : memref<1x32xf32, #tpu.memory_space<hbm>>) target(%dma_start3A_166 : memref<1x32xf32, #tpu.memory_space<vmem>>) target_semaphore(%arg8 : memref<!tpu.dma_semaphore, #tpu.memory_space<semaphore_mem>>)
    %slice3A_169 = vector.extract_strided_slice %get3A_3 {offsets = [14], sizes = [1], strides = [1]} : vector<16xi32> to vector<1xi32>
    %squeeze3A_170 = vector.extract %slice3A_169[0] : i32 from vector<1xi32>
    %dma_start3A_171 = arith.constant 14 : i32
    %dma_start3A_172 = arith.constant 0 : i32
    %dma_start3A_173 = tpu.memref_slice %arg6[%dma_start3A_171, %dma_start3A_172] : memref<512x32xf32, #tpu.memory_space<vmem>> -> memref<1x32xf32, #tpu.memory_space<vmem>>
    %dma_start3A_174 = arith.constant 0 : i32
    %dma_start3A_175 = tpu.memref_slice %arg3[%squeeze3A_170, %dma_start3A_174] : memref<1000000x32xf32, #tpu.memory_space<hbm>> -> memref<1x32xf32, #tpu.memory_space<hbm>>
    %dma_start3A_176 = arith.constant 14 : i32
    %dma_start3A_177 = arith.constant 0 : i32
    %dma_start3A_178 = tpu.memref_slice %arg6[%dma_start3A_176, %dma_start3A_177] : memref<512x32xf32, #tpu.memory_space<vmem>> -> memref<1x32xf32, #tpu.memory_space<vmem>>
    %dma_start3A_179 = arith.constant 0 : i32
    %dma_start3A_180 = tpu.memref_slice %arg3[%squeeze3A_170, %dma_start3A_179] : memref<1000000x32xf32, #tpu.memory_space<hbm>> -> memref<1x32xf32, #tpu.memory_space<hbm>>
    tpu.enqueue_dma source(%dma_start3A_180 : memref<1x32xf32, #tpu.memory_space<hbm>>) target(%dma_start3A_178 : memref<1x32xf32, #tpu.memory_space<vmem>>) target_semaphore(%arg8 : memref<!tpu.dma_semaphore, #tpu.memory_space<semaphore_mem>>)
    %slice3A_181 = vector.extract_strided_slice %get3A_3 {offsets = [15], sizes = [1], strides = [1]} : vector<16xi32> to vector<1xi32>
    %squeeze3A_182 = vector.extract %slice3A_181[0] : i32 from vector<1xi32>
    %dma_start3A_183 = arith.constant 15 : i32
    %dma_start3A_184 = arith.constant 0 : i32
    %dma_start3A_185 = tpu.memref_slice %arg6[%dma_start3A_183, %dma_start3A_184] : memref<512x32xf32, #tpu.memory_space<vmem>> -> memref<1x32xf32, #tpu.memory_space<vmem>>
    %dma_start3A_186 = arith.constant 0 : i32
    %dma_start3A_187 = tpu.memref_slice %arg3[%squeeze3A_182, %dma_start3A_186] : memref<1000000x32xf32, #tpu.memory_space<hbm>> -> memref<1x32xf32, #tpu.memory_space<hbm>>
    %dma_start3A_188 = arith.constant 15 : i32
    %dma_start3A_189 = arith.constant 0 : i32
    %dma_start3A_190 = tpu.memref_slice %arg6[%dma_start3A_188, %dma_start3A_189] : memref<512x32xf32, #tpu.memory_space<vmem>> -> memref<1x32xf32, #tpu.memory_space<vmem>>
    %dma_start3A_191 = arith.constant 0 : i32
    %dma_start3A_192 = tpu.memref_slice %arg3[%squeeze3A_182, %dma_start3A_191] : memref<1000000x32xf32, #tpu.memory_space<hbm>> -> memref<1x32xf32, #tpu.memory_space<hbm>>
    tpu.enqueue_dma source(%dma_start3A_192 : memref<1x32xf32, #tpu.memory_space<hbm>>) target(%dma_start3A_190 : memref<1x32xf32, #tpu.memory_space<vmem>>) target_semaphore(%arg8 : memref<!tpu.dma_semaphore, #tpu.memory_space<semaphore_mem>>)
    %scan3A = arith.constant 0 : i32
    %scan3A_193 = arith.constant 1 : i32
    %scan3A_194 = arith.constant 31 : i32
    %scan3A_195 = arith.addi %scan3A_193, %scan3A_194 : i32
    %scan3A_196 = arith.constant 1 : i32
    scf.for %scan3A_215 = %scan3A_193 to %scan3A_195 step %scan3A_196  : i32 {
      %mul3A_216 = arith.constant 16 : i32
      %mul3A_217 = arith.muli %scan3A_215, %mul3A_216 : i32
      %get3A_218 = arith.index_cast %mul3A_217 : i32 to index
      %get3A_219 = tpu.vector_load %arg5[%get3A_218] {strides = array<i32>} : memref<512xi32, #tpu.memory_space<vmem>>, vector<16xi32>,
      %slice3A_220 = vector.extract_strided_slice %get3A_219 {offsets = [0], sizes = [1], strides = [1]} : vector<16xi32> to vector<1xi32>
      %squeeze3A_221 = vector.extract %slice3A_220[0] : i32 from vector<1xi32>
      %add3A_222 = arith.constant 0 : i32
      %add3A_223 = arith.addi %mul3A_217, %add3A_222 : i32
      %dma_start3A_224 = arith.constant 0 : i32
      %dma_start3A_225 = tpu.memref_slice %arg6[%add3A_223, %dma_start3A_224] : memref<512x32xf32, #tpu.memory_space<vmem>> -> memref<1x32xf32, #tpu.memory_space<vmem>>
      %dma_start3A_226 = arith.constant 0 : i32
      %dma_start3A_227 = tpu.memref_slice %arg3[%squeeze3A_221, %dma_start3A_226] : memref<1000000x32xf32, #tpu.memory_space<hbm>> -> memref<1x32xf32, #tpu.memory_space<hbm>>
      %dma_start3A_228 = arith.constant 0 : i32
      %dma_start3A_229 = tpu.memref_slice %arg6[%add3A_223, %dma_start3A_228] : memref<512x32xf32, #tpu.memory_space<vmem>> -> memref<1x32xf32, #tpu.memory_space<vmem>>
      %dma_start3A_230 = arith.constant 0 : i32
      %dma_start3A_231 = tpu.memref_slice %arg3[%squeeze3A_221, %dma_start3A_230] : memref<1000000x32xf32, #tpu.memory_space<hbm>> -> memref<1x32xf32, #tpu.memory_space<hbm>>
      tpu.enqueue_dma source(%dma_start3A_231 : memref<1x32xf32, #tpu.memory_space<hbm>>) target(%dma_start3A_229 : memref<1x32xf32, #tpu.memory_space<vmem>>) target_semaphore(%arg8 : memref<!tpu.dma_semaphore, #tpu.memory_space<semaphore_mem>>)
      %slice3A_232 = vector.extract_strided_slice %get3A_219 {offsets = [1], sizes = [1], strides = [1]} : vector<16xi32> to vector<1xi32>
      %squeeze3A_233 = vector.extract %slice3A_232[0] : i32 from vector<1xi32>
      %add3A_234 = arith.constant 1 : i32
      %add3A_235 = arith.addi %mul3A_217, %add3A_234 : i32
      %dma_start3A_236 = arith.constant 0 : i32
      %dma_start3A_237 = tpu.memref_slice %arg6[%add3A_235, %dma_start3A_236] : memref<512x32xf32, #tpu.memory_space<vmem>> -> memref<1x32xf32, #tpu.memory_space<vmem>>
      %dma_start3A_238 = arith.constant 0 : i32
      %dma_start3A_239 = tpu.memref_slice %arg3[%squeeze3A_233, %dma_start3A_238] : memref<1000000x32xf32, #tpu.memory_space<hbm>> -> memref<1x32xf32, #tpu.memory_space<hbm>>
      %dma_start3A_240 = arith.constant 0 : i32
      %dma_start3A_241 = tpu.memref_slice %arg6[%add3A_235, %dma_start3A_240] : memref<512x32xf32, #tpu.memory_space<vmem>> -> memref<1x32xf32, #tpu.memory_space<vmem>>
      %dma_start3A_242 = arith.constant 0 : i32
      %dma_start3A_243 = tpu.memref_slice %arg3[%squeeze3A_233, %dma_start3A_242] : memref<1000000x32xf32, #tpu.memory_space<hbm>> -> memref<1x32xf32, #tpu.memory_space<hbm>>
      tpu.enqueue_dma source(%dma_start3A_243 : memref<1x32xf32, #tpu.memory_space<hbm>>) target(%dma_start3A_241 : memref<1x32xf32, #tpu.memory_space<vmem>>) target_semaphore(%arg8 : memref<!tpu.dma_semaphore, #tpu.memory_space<semaphore_mem>>)
      %slice3A_244 = vector.extract_strided_slice %get3A_219 {offsets = [2], sizes = [1], strides = [1]} : vector<16xi32> to vector<1xi32>
      %squeeze3A_245 = vector.extract %slice3A_244[0] : i32 from vector<1xi32>
      %add3A_246 = arith.constant 2 : i32
      %add3A_247 = arith.addi %mul3A_217, %add3A_246 : i32
      %dma_start3A_248 = arith.constant 0 : i32
      %dma_start3A_249 = tpu.memref_slice %arg6[%add3A_247, %dma_start3A_248] : memref<512x32xf32, #tpu.memory_space<vmem>> -> memref<1x32xf32, #tpu.memory_space<vmem>>
      %dma_start3A_250 = arith.constant 0 : i32
      %dma_start3A_251 = tpu.memref_slice %arg3[%squeeze3A_245, %dma_start3A_250] : memref<1000000x32xf32, #tpu.memory_space<hbm>> -> memref<1x32xf32, #tpu.memory_space<hbm>>
      %dma_start3A_252 = arith.constant 0 : i32
      %dma_start3A_253 = tpu.memref_slice %arg6[%add3A_247, %dma_start3A_252] : memref<512x32xf32, #tpu.memory_space<vmem>> -> memref<1x32xf32, #tpu.memory_space<vmem>>
      %dma_start3A_254 = arith.constant 0 : i32
      %dma_start3A_255 = tpu.memref_slice %arg3[%squeeze3A_245, %dma_start3A_254] : memref<1000000x32xf32, #tpu.memory_space<hbm>> -> memref<1x32xf32, #tpu.memory_space<hbm>>
      tpu.enqueue_dma source(%dma_start3A_255 : memref<1x32xf32, #tpu.memory_space<hbm>>) target(%dma_start3A_253 : memref<1x32xf32, #tpu.memory_space<vmem>>) target_semaphore(%arg8 : memref<!tpu.dma_semaphore, #tpu.memory_space<semaphore_mem>>)
      %slice3A_256 = vector.extract_strided_slice %get3A_219 {offsets = [3], sizes = [1], strides = [1]} : vector<16xi32> to vector<1xi32>
      %squeeze3A_257 = vector.extract %slice3A_256[0] : i32 from vector<1xi32>
      %add3A_258 = arith.constant 3 : i32
      %add3A_259 = arith.addi %mul3A_217, %add3A_258 : i32
      %dma_start3A_260 = arith.constant 0 : i32
      %dma_start3A_261 = tpu.memref_slice %arg6[%add3A_259, %dma_start3A_260] : memref<512x32xf32, #tpu.memory_space<vmem>> -> memref<1x32xf32, #tpu.memory_space<vmem>>
      %dma_start3A_262 = arith.constant 0 : i32
      %dma_start3A_263 = tpu.memref_slice %arg3[%squeeze3A_257, %dma_start3A_262] : memref<1000000x32xf32, #tpu.memory_space<hbm>> -> memref<1x32xf32, #tpu.memory_space<hbm>>
      %dma_start3A_264 = arith.constant 0 : i32
      %dma_start3A_265 = tpu.memref_slice %arg6[%add3A_259, %dma_start3A_264] : memref<512x32xf32, #tpu.memory_space<vmem>> -> memref<1x32xf32, #tpu.memory_space<vmem>>
      %dma_start3A_266 = arith.constant 0 : i32
      %dma_start3A_267 = tpu.memref_slice %arg3[%squeeze3A_257, %dma_start3A_266] : memref<1000000x32xf32, #tpu.memory_space<hbm>> -> memref<1x32xf32, #tpu.memory_space<hbm>>
      tpu.enqueue_dma source(%dma_start3A_267 : memref<1x32xf32, #tpu.memory_space<hbm>>) target(%dma_start3A_265 : memref<1x32xf32, #tpu.memory_space<vmem>>) target_semaphore(%arg8 : memref<!tpu.dma_semaphore, #tpu.memory_space<semaphore_mem>>)
      %slice3A_268 = vector.extract_strided_slice %get3A_219 {offsets = [4], sizes = [1], strides = [1]} : vector<16xi32> to vector<1xi32>
      %squeeze3A_269 = vector.extract %slice3A_268[0] : i32 from vector<1xi32>
      %add3A_270 = arith.constant 4 : i32
      %add3A_271 = arith.addi %mul3A_217, %add3A_270 : i32
      %dma_start3A_272 = arith.constant 0 : i32
      %dma_start3A_273 = tpu.memref_slice %arg6[%add3A_271, %dma_start3A_272] : memref<512x32xf32, #tpu.memory_space<vmem>> -> memref<1x32xf32, #tpu.memory_space<vmem>>
      %dma_start3A_274 = arith.constant 0 : i32
      %dma_start3A_275 = tpu.memref_slice %arg3[%squeeze3A_269, %dma_start3A_274] : memref<1000000x32xf32, #tpu.memory_space<hbm>> -> memref<1x32xf32, #tpu.memory_space<hbm>>
      %dma_start3A_276 = arith.constant 0 : i32
      %dma_start3A_277 = tpu.memref_slice %arg6[%add3A_271, %dma_start3A_276] : memref<512x32xf32, #tpu.memory_space<vmem>> -> memref<1x32xf32, #tpu.memory_space<vmem>>
      %dma_start3A_278 = arith.constant 0 : i32
      %dma_start3A_279 = tpu.memref_slice %arg3[%squeeze3A_269, %dma_start3A_278] : memref<1000000x32xf32, #tpu.memory_space<hbm>> -> memref<1x32xf32, #tpu.memory_space<hbm>>
      tpu.enqueue_dma source(%dma_start3A_279 : memref<1x32xf32, #tpu.memory_space<hbm>>) target(%dma_start3A_277 : memref<1x32xf32, #tpu.memory_space<vmem>>) target_semaphore(%arg8 : memref<!tpu.dma_semaphore, #tpu.memory_space<semaphore_mem>>)
      %slice3A_280 = vector.extract_strided_slice %get3A_219 {offsets = [5], sizes = [1], strides = [1]} : vector<16xi32> to vector<1xi32>
      %squeeze3A_281 = vector.extract %slice3A_280[0] : i32 from vector<1xi32>
      %add3A_282 = arith.constant 5 : i32
      %add3A_283 = arith.addi %mul3A_217, %add3A_282 : i32
      %dma_start3A_284 = arith.constant 0 : i32
      %dma_start3A_285 = tpu.memref_slice %arg6[%add3A_283, %dma_start3A_284] : memref<512x32xf32, #tpu.memory_space<vmem>> -> memref<1x32xf32, #tpu.memory_space<vmem>>
      %dma_start3A_286 = arith.constant 0 : i32
      %dma_start3A_287 = tpu.memref_slice %arg3[%squeeze3A_281, %dma_start3A_286] : memref<1000000x32xf32, #tpu.memory_space<hbm>> -> memref<1x32xf32, #tpu.memory_space<hbm>>
      %dma_start3A_288 = arith.constant 0 : i32
      %dma_start3A_289 = tpu.memref_slice %arg6[%add3A_283, %dma_start3A_288] : memref<512x32xf32, #tpu.memory_space<vmem>> -> memref<1x32xf32, #tpu.memory_space<vmem>>
      %dma_start3A_290 = arith.constant 0 : i32
      %dma_start3A_291 = tpu.memref_slice %arg3[%squeeze3A_281, %dma_start3A_290] : memref<1000000x32xf32, #tpu.memory_space<hbm>> -> memref<1x32xf32, #tpu.memory_space<hbm>>
      tpu.enqueue_dma source(%dma_start3A_291 : memref<1x32xf32, #tpu.memory_space<hbm>>) target(%dma_start3A_289 : memref<1x32xf32, #tpu.memory_space<vmem>>) target_semaphore(%arg8 : memref<!tpu.dma_semaphore, #tpu.memory_space<semaphore_mem>>)
      %slice3A_292 = vector.extract_strided_slice %get3A_219 {offsets = [6], sizes = [1], strides = [1]} : vector<16xi32> to vector<1xi32>
      %squeeze3A_293 = vector.extract %slice3A_292[0] : i32 from vector<1xi32>
      %add3A_294 = arith.constant 6 : i32
      %add3A_295 = arith.addi %mul3A_217, %add3A_294 : i32
      %dma_start3A_296 = arith.constant 0 : i32
      %dma_start3A_297 = tpu.memref_slice %arg6[%add3A_295, %dma_start3A_296] : memref<512x32xf32, #tpu.memory_space<vmem>> -> memref<1x32xf32, #tpu.memory_space<vmem>>
      %dma_start3A_298 = arith.constant 0 : i32
      %dma_start3A_299 = tpu.memref_slice %arg3[%squeeze3A_293, %dma_start3A_298] : memref<1000000x32xf32, #tpu.memory_space<hbm>> -> memref<1x32xf32, #tpu.memory_space<hbm>>
      %dma_start3A_300 = arith.constant 0 : i32
      %dma_start3A_301 = tpu.memref_slice %arg6[%add3A_295, %dma_start3A_300] : memref<512x32xf32, #tpu.memory_space<vmem>> -> memref<1x32xf32, #tpu.memory_space<vmem>>
      %dma_start3A_302 = arith.constant 0 : i32
      %dma_start3A_303 = tpu.memref_slice %arg3[%squeeze3A_293, %dma_start3A_302] : memref<1000000x32xf32, #tpu.memory_space<hbm>> -> memref<1x32xf32, #tpu.memory_space<hbm>>
      tpu.enqueue_dma source(%dma_start3A_303 : memref<1x32xf32, #tpu.memory_space<hbm>>) target(%dma_start3A_301 : memref<1x32xf32, #tpu.memory_space<vmem>>) target_semaphore(%arg8 : memref<!tpu.dma_semaphore, #tpu.memory_space<semaphore_mem>>)
      %slice3A_304 = vector.extract_strided_slice %get3A_219 {offsets = [7], sizes = [1], strides = [1]} : vector<16xi32> to vector<1xi32>
      %squeeze3A_305 = vector.extract %slice3A_304[0] : i32 from vector<1xi32>
      %add3A_306 = arith.constant 7 : i32
      %add3A_307 = arith.addi %mul3A_217, %add3A_306 : i32
      %dma_start3A_308 = arith.constant 0 : i32
      %dma_start3A_309 = tpu.memref_slice %arg6[%add3A_307, %dma_start3A_308] : memref<512x32xf32, #tpu.memory_space<vmem>> -> memref<1x32xf32, #tpu.memory_space<vmem>>
      %dma_start3A_310 = arith.constant 0 : i32
      %dma_start3A_311 = tpu.memref_slice %arg3[%squeeze3A_305, %dma_start3A_310] : memref<1000000x32xf32, #tpu.memory_space<hbm>> -> memref<1x32xf32, #tpu.memory_space<hbm>>
      %dma_start3A_312 = arith.constant 0 : i32
      %dma_start3A_313 = tpu.memref_slice %arg6[%add3A_307, %dma_start3A_312] : memref<512x32xf32, #tpu.memory_space<vmem>> -> memref<1x32xf32, #tpu.memory_space<vmem>>
      %dma_start3A_314 = arith.constant 0 : i32
      %dma_start3A_315 = tpu.memref_slice %arg3[%squeeze3A_305, %dma_start3A_314] : memref<1000000x32xf32, #tpu.memory_space<hbm>> -> memref<1x32xf32, #tpu.memory_space<hbm>>
      tpu.enqueue_dma source(%dma_start3A_315 : memref<1x32xf32, #tpu.memory_space<hbm>>) target(%dma_start3A_313 : memref<1x32xf32, #tpu.memory_space<vmem>>) target_semaphore(%arg8 : memref<!tpu.dma_semaphore, #tpu.memory_space<semaphore_mem>>)
      %slice3A_316 = vector.extract_strided_slice %get3A_219 {offsets = [8], sizes = [1], strides = [1]} : vector<16xi32> to vector<1xi32>
      %squeeze3A_317 = vector.extract %slice3A_316[0] : i32 from vector<1xi32>
      %add3A_318 = arith.constant 8 : i32
      %add3A_319 = arith.addi %mul3A_217, %add3A_318 : i32
      %dma_start3A_320 = arith.constant 0 : i32
      %dma_start3A_321 = tpu.memref_slice %arg6[%add3A_319, %dma_start3A_320] : memref<512x32xf32, #tpu.memory_space<vmem>> -> memref<1x32xf32, #tpu.memory_space<vmem>>
      %dma_start3A_322 = arith.constant 0 : i32
      %dma_start3A_323 = tpu.memref_slice %arg3[%squeeze3A_317, %dma_start3A_322] : memref<1000000x32xf32, #tpu.memory_space<hbm>> -> memref<1x32xf32, #tpu.memory_space<hbm>>
      %dma_start3A_324 = arith.constant 0 : i32
      %dma_start3A_325 = tpu.memref_slice %arg6[%add3A_319, %dma_start3A_324] : memref<512x32xf32, #tpu.memory_space<vmem>> -> memref<1x32xf32, #tpu.memory_space<vmem>>
      %dma_start3A_326 = arith.constant 0 : i32
      %dma_start3A_327 = tpu.memref_slice %arg3[%squeeze3A_317, %dma_start3A_326] : memref<1000000x32xf32, #tpu.memory_space<hbm>> -> memref<1x32xf32, #tpu.memory_space<hbm>>
      tpu.enqueue_dma source(%dma_start3A_327 : memref<1x32xf32, #tpu.memory_space<hbm>>) target(%dma_start3A_325 : memref<1x32xf32, #tpu.memory_space<vmem>>) target_semaphore(%arg8 : memref<!tpu.dma_semaphore, #tpu.memory_space<semaphore_mem>>)
      %slice3A_328 = vector.extract_strided_slice %get3A_219 {offsets = [9], sizes = [1], strides = [1]} : vector<16xi32> to vector<1xi32>
      %squeeze3A_329 = vector.extract %slice3A_328[0] : i32 from vector<1xi32>
      %add3A_330 = arith.constant 9 : i32
      %add3A_331 = arith.addi %mul3A_217, %add3A_330 : i32
      %dma_start3A_332 = arith.constant 0 : i32
      %dma_start3A_333 = tpu.memref_slice %arg6[%add3A_331, %dma_start3A_332] : memref<512x32xf32, #tpu.memory_space<vmem>> -> memref<1x32xf32, #tpu.memory_space<vmem>>
      %dma_start3A_334 = arith.constant 0 : i32
      %dma_start3A_335 = tpu.memref_slice %arg3[%squeeze3A_329, %dma_start3A_334] : memref<1000000x32xf32, #tpu.memory_space<hbm>> -> memref<1x32xf32, #tpu.memory_space<hbm>>
      %dma_start3A_336 = arith.constant 0 : i32
      %dma_start3A_337 = tpu.memref_slice %arg6[%add3A_331, %dma_start3A_336] : memref<512x32xf32, #tpu.memory_space<vmem>> -> memref<1x32xf32, #tpu.memory_space<vmem>>
      %dma_start3A_338 = arith.constant 0 : i32
      %dma_start3A_339 = tpu.memref_slice %arg3[%squeeze3A_329, %dma_start3A_338] : memref<1000000x32xf32, #tpu.memory_space<hbm>> -> memref<1x32xf32, #tpu.memory_space<hbm>>
      tpu.enqueue_dma source(%dma_start3A_339 : memref<1x32xf32, #tpu.memory_space<hbm>>) target(%dma_start3A_337 : memref<1x32xf32, #tpu.memory_space<vmem>>) target_semaphore(%arg8 : memref<!tpu.dma_semaphore, #tpu.memory_space<semaphore_mem>>)
      %slice3A_340 = vector.extract_strided_slice %get3A_219 {offsets = [10], sizes = [1], strides = [1]} : vector<16xi32> to vector<1xi32>
      %squeeze3A_341 = vector.extract %slice3A_340[0] : i32 from vector<1xi32>
      %add3A_342 = arith.constant 10 : i32
      %add3A_343 = arith.addi %mul3A_217, %add3A_342 : i32
      %dma_start3A_344 = arith.constant 0 : i32
      %dma_start3A_345 = tpu.memref_slice %arg6[%add3A_343, %dma_start3A_344] : memref<512x32xf32, #tpu.memory_space<vmem>> -> memref<1x32xf32, #tpu.memory_space<vmem>>
      %dma_start3A_346 = arith.constant 0 : i32
      %dma_start3A_347 = tpu.memref_slice %arg3[%squeeze3A_341, %dma_start3A_346] : memref<1000000x32xf32, #tpu.memory_space<hbm>> -> memref<1x32xf32, #tpu.memory_space<hbm>>
      %dma_start3A_348 = arith.constant 0 : i32
      %dma_start3A_349 = tpu.memref_slice %arg6[%add3A_343, %dma_start3A_348] : memref<512x32xf32, #tpu.memory_space<vmem>> -> memref<1x32xf32, #tpu.memory_space<vmem>>
      %dma_start3A_350 = arith.constant 0 : i32
      %dma_start3A_351 = tpu.memref_slice %arg3[%squeeze3A_341, %dma_start3A_350] : memref<1000000x32xf32, #tpu.memory_space<hbm>> -> memref<1x32xf32, #tpu.memory_space<hbm>>
      tpu.enqueue_dma source(%dma_start3A_351 : memref<1x32xf32, #tpu.memory_space<hbm>>) target(%dma_start3A_349 : memref<1x32xf32, #tpu.memory_space<vmem>>) target_semaphore(%arg8 : memref<!tpu.dma_semaphore, #tpu.memory_space<semaphore_mem>>)
      %slice3A_352 = vector.extract_strided_slice %get3A_219 {offsets = [11], sizes = [1], strides = [1]} : vector<16xi32> to vector<1xi32>
      %squeeze3A_353 = vector.extract %slice3A_352[0] : i32 from vector<1xi32>
      %add3A_354 = arith.constant 11 : i32
      %add3A_355 = arith.addi %mul3A_217, %add3A_354 : i32
      %dma_start3A_356 = arith.constant 0 : i32
      %dma_start3A_357 = tpu.memref_slice %arg6[%add3A_355, %dma_start3A_356] : memref<512x32xf32, #tpu.memory_space<vmem>> -> memref<1x32xf32, #tpu.memory_space<vmem>>
      %dma_start3A_358 = arith.constant 0 : i32
      %dma_start3A_359 = tpu.memref_slice %arg3[%squeeze3A_353, %dma_start3A_358] : memref<1000000x32xf32, #tpu.memory_space<hbm>> -> memref<1x32xf32, #tpu.memory_space<hbm>>
      %dma_start3A_360 = arith.constant 0 : i32
      %dma_start3A_361 = tpu.memref_slice %arg6[%add3A_355, %dma_start3A_360] : memref<512x32xf32, #tpu.memory_space<vmem>> -> memref<1x32xf32, #tpu.memory_space<vmem>>
      %dma_start3A_362 = arith.constant 0 : i32
      %dma_start3A_363 = tpu.memref_slice %arg3[%squeeze3A_353, %dma_start3A_362] : memref<1000000x32xf32, #tpu.memory_space<hbm>> -> memref<1x32xf32, #tpu.memory_space<hbm>>
      tpu.enqueue_dma source(%dma_start3A_363 : memref<1x32xf32, #tpu.memory_space<hbm>>) target(%dma_start3A_361 : memref<1x32xf32, #tpu.memory_space<vmem>>) target_semaphore(%arg8 : memref<!tpu.dma_semaphore, #tpu.memory_space<semaphore_mem>>)
      %slice3A_364 = vector.extract_strided_slice %get3A_219 {offsets = [12], sizes = [1], strides = [1]} : vector<16xi32> to vector<1xi32>
      %squeeze3A_365 = vector.extract %slice3A_364[0] : i32 from vector<1xi32>
      %add3A_366 = arith.constant 12 : i32
      %add3A_367 = arith.addi %mul3A_217, %add3A_366 : i32
      %dma_start3A_368 = arith.constant 0 : i32
      %dma_start3A_369 = tpu.memref_slice %arg6[%add3A_367, %dma_start3A_368] : memref<512x32xf32, #tpu.memory_space<vmem>> -> memref<1x32xf32, #tpu.memory_space<vmem>>
      %dma_start3A_370 = arith.constant 0 : i32
      %dma_start3A_371 = tpu.memref_slice %arg3[%squeeze3A_365, %dma_start3A_370] : memref<1000000x32xf32, #tpu.memory_space<hbm>> -> memref<1x32xf32, #tpu.memory_space<hbm>>
      %dma_start3A_372 = arith.constant 0 : i32
      %dma_start3A_373 = tpu.memref_slice %arg6[%add3A_367, %dma_start3A_372] : memref<512x32xf32, #tpu.memory_space<vmem>> -> memref<1x32xf32, #tpu.memory_space<vmem>>
      %dma_start3A_374 = arith.constant 0 : i32
      %dma_start3A_375 = tpu.memref_slice %arg3[%squeeze3A_365, %dma_start3A_374] : memref<1000000x32xf32, #tpu.memory_space<hbm>> -> memref<1x32xf32, #tpu.memory_space<hbm>>
      tpu.enqueue_dma source(%dma_start3A_375 : memref<1x32xf32, #tpu.memory_space<hbm>>) target(%dma_start3A_373 : memref<1x32xf32, #tpu.memory_space<vmem>>) target_semaphore(%arg8 : memref<!tpu.dma_semaphore, #tpu.memory_space<semaphore_mem>>)
      %slice3A_376 = vector.extract_strided_slice %get3A_219 {offsets = [13], sizes = [1], strides = [1]} : vector<16xi32> to vector<1xi32>
      %squeeze3A_377 = vector.extract %slice3A_376[0] : i32 from vector<1xi32>
      %add3A_378 = arith.constant 13 : i32
      %add3A_379 = arith.addi %mul3A_217, %add3A_378 : i32
      %dma_start3A_380 = arith.constant 0 : i32
      %dma_start3A_381 = tpu.memref_slice %arg6[%add3A_379, %dma_start3A_380] : memref<512x32xf32, #tpu.memory_space<vmem>> -> memref<1x32xf32, #tpu.memory_space<vmem>>
      %dma_start3A_382 = arith.constant 0 : i32
      %dma_start3A_383 = tpu.memref_slice %arg3[%squeeze3A_377, %dma_start3A_382] : memref<1000000x32xf32, #tpu.memory_space<hbm>> -> memref<1x32xf32, #tpu.memory_space<hbm>>
      %dma_start3A_384 = arith.constant 0 : i32
      %dma_start3A_385 = tpu.memref_slice %arg6[%add3A_379, %dma_start3A_384] : memref<512x32xf32, #tpu.memory_space<vmem>> -> memref<1x32xf32, #tpu.memory_space<vmem>>
      %dma_start3A_386 = arith.constant 0 : i32
      %dma_start3A_387 = tpu.memref_slice %arg3[%squeeze3A_377, %dma_start3A_386] : memref<1000000x32xf32, #tpu.memory_space<hbm>> -> memref<1x32xf32, #tpu.memory_space<hbm>>
      tpu.enqueue_dma source(%dma_start3A_387 : memref<1x32xf32, #tpu.memory_space<hbm>>) target(%dma_start3A_385 : memref<1x32xf32, #tpu.memory_space<vmem>>) target_semaphore(%arg8 : memref<!tpu.dma_semaphore, #tpu.memory_space<semaphore_mem>>)
      %slice3A_388 = vector.extract_strided_slice %get3A_219 {offsets = [14], sizes = [1], strides = [1]} : vector<16xi32> to vector<1xi32>
      %squeeze3A_389 = vector.extract %slice3A_388[0] : i32 from vector<1xi32>
      %add3A_390 = arith.constant 14 : i32
      %add3A_391 = arith.addi %mul3A_217, %add3A_390 : i32
      %dma_start3A_392 = arith.constant 0 : i32
      %dma_start3A_393 = tpu.memref_slice %arg6[%add3A_391, %dma_start3A_392] : memref<512x32xf32, #tpu.memory_space<vmem>> -> memref<1x32xf32, #tpu.memory_space<vmem>>
      %dma_start3A_394 = arith.constant 0 : i32
      %dma_start3A_395 = tpu.memref_slice %arg3[%squeeze3A_389, %dma_start3A_394] : memref<1000000x32xf32, #tpu.memory_space<hbm>> -> memref<1x32xf32, #tpu.memory_space<hbm>>
      %dma_start3A_396 = arith.constant 0 : i32
      %dma_start3A_397 = tpu.memref_slice %arg6[%add3A_391, %dma_start3A_396] : memref<512x32xf32, #tpu.memory_space<vmem>> -> memref<1x32xf32, #tpu.memory_space<vmem>>
      %dma_start3A_398 = arith.constant 0 : i32
      %dma_start3A_399 = tpu.memref_slice %arg3[%squeeze3A_389, %dma_start3A_398] : memref<1000000x32xf32, #tpu.memory_space<hbm>> -> memref<1x32xf32, #tpu.memory_space<hbm>>
      tpu.enqueue_dma source(%dma_start3A_399 : memref<1x32xf32, #tpu.memory_space<hbm>>) target(%dma_start3A_397 : memref<1x32xf32, #tpu.memory_space<vmem>>) target_semaphore(%arg8 : memref<!tpu.dma_semaphore, #tpu.memory_space<semaphore_mem>>)
      %slice3A_400 = vector.extract_strided_slice %get3A_219 {offsets = [15], sizes = [1], strides = [1]} : vector<16xi32> to vector<1xi32>
      %squeeze3A_401 = vector.extract %slice3A_400[0] : i32 from vector<1xi32>
      %add3A_402 = arith.constant 15 : i32
      %add3A_403 = arith.addi %mul3A_217, %add3A_402 : i32
      %dma_start3A_404 = arith.constant 0 : i32
      %dma_start3A_405 = tpu.memref_slice %arg6[%add3A_403, %dma_start3A_404] : memref<512x32xf32, #tpu.memory_space<vmem>> -> memref<1x32xf32, #tpu.memory_space<vmem>>
      %dma_start3A_406 = arith.constant 0 : i32
      %dma_start3A_407 = tpu.memref_slice %arg3[%squeeze3A_401, %dma_start3A_406] : memref<1000000x32xf32, #tpu.memory_space<hbm>> -> memref<1x32xf32, #tpu.memory_space<hbm>>
      %dma_start3A_408 = arith.constant 0 : i32
      %dma_start3A_409 = tpu.memref_slice %arg6[%add3A_403, %dma_start3A_408] : memref<512x32xf32, #tpu.memory_space<vmem>> -> memref<1x32xf32, #tpu.memory_space<vmem>>
      %dma_start3A_410 = arith.constant 0 : i32
      %dma_start3A_411 = tpu.memref_slice %arg3[%squeeze3A_401, %dma_start3A_410] : memref<1000000x32xf32, #tpu.memory_space<hbm>> -> memref<1x32xf32, #tpu.memory_space<hbm>>
      tpu.enqueue_dma source(%dma_start3A_411 : memref<1x32xf32, #tpu.memory_space<hbm>>) target(%dma_start3A_409 : memref<1x32xf32, #tpu.memory_space<vmem>>) target_semaphore(%arg8 : memref<!tpu.dma_semaphore, #tpu.memory_space<semaphore_mem>>)
      %sub3A = arith.constant 1 : i32
      %sub3A_412 = arith.subi %scan3A_215, %sub3A : i32
      %mul3A_413 = arith.constant 16 : i32
      %mul3A_414 = arith.muli %sub3A_412, %mul3A_413 : i32
      %dma_wait3A_415 = arith.constant 0 : i32
      %dma_wait3A_416 = tpu.memref_slice %arg6[%mul3A_414, %dma_wait3A_415] : memref<512x32xf32, #tpu.memory_space<vmem>> -> memref<16x32xf32, #tpu.memory_space<vmem>>
      %dma_wait3A_417 = arith.constant 0 : i32
      %dma_wait3A_418 = arith.constant 0 : i32
      %dma_wait3A_419 = tpu.memref_slice %arg3[%dma_wait3A_417, %dma_wait3A_418] : memref<1000000x32xf32, #tpu.memory_space<hbm>> -> memref<16x32xf32, #tpu.memory_space<hbm>>
      %dma_wait3A_420 = arith.constant 0 : i32
      %dma_wait3A_421 = tpu.memref_slice %arg6[%mul3A_414, %dma_wait3A_420] : memref<512x32xf32, #tpu.memory_space<vmem>> -> memref<16x32xf32, #tpu.memory_space<vmem>>
      %dma_wait3A_422 = arith.constant 0 : i32
      %dma_wait3A_423 = arith.constant 0 : i32
      %dma_wait3A_424 = tpu.memref_slice %arg3[%dma_wait3A_422, %dma_wait3A_423] : memref<1000000x32xf32, #tpu.memory_space<hbm>> -> memref<16x32xf32, #tpu.memory_space<hbm>>
      tpu.wait_dma2 semaphore(%arg8 : memref<!tpu.dma_semaphore, #tpu.memory_space<semaphore_mem>>) src(%dma_wait3A_424 : memref<16x32xf32, #tpu.memory_space<hbm>>) dst(%dma_wait3A_421 : memref<16x32xf32, #tpu.memory_space<vmem>>)
    }
    %scan3A_197 = arith.constant 31 : i32
    %dma_wait3A = arith.constant 496 : i32
    %dma_wait3A_198 = arith.constant 0 : i32
    %dma_wait3A_199 = tpu.memref_slice %arg6[%dma_wait3A, %dma_wait3A_198] : memref<512x32xf32, #tpu.memory_space<vmem>> -> memref<16x32xf32, #tpu.memory_space<vmem>>
    %dma_wait3A_200 = arith.constant 0 : i32
    %dma_wait3A_201 = arith.constant 0 : i32
    %dma_wait3A_202 = tpu.memref_slice %arg3[%dma_wait3A_200, %dma_wait3A_201] : memref<1000000x32xf32, #tpu.memory_space<hbm>> -> memref<16x32xf32, #tpu.memory_space<hbm>>
    %dma_wait3A_203 = arith.constant 496 : i32
    %dma_wait3A_204 = arith.constant 0 : i32
    %dma_wait3A_205 = tpu.memref_slice %arg6[%dma_wait3A_203, %dma_wait3A_204] : memref<512x32xf32, #tpu.memory_space<vmem>> -> memref<16x32xf32, #tpu.memory_space<vmem>>
    %dma_wait3A_206 = arith.constant 0 : i32
    %dma_wait3A_207 = arith.constant 0 : i32
    %dma_wait3A_208 = tpu.memref_slice %arg3[%dma_wait3A_206, %dma_wait3A_207] : memref<1000000x32xf32, #tpu.memory_space<hbm>> -> memref<16x32xf32, #tpu.memory_space<hbm>>
    tpu.wait_dma2 semaphore(%arg8 : memref<!tpu.dma_semaphore, #tpu.memory_space<semaphore_mem>>) src(%dma_wait3A_208 : memref<16x32xf32, #tpu.memory_space<hbm>>) dst(%dma_wait3A_205 : memref<16x32xf32, #tpu.memory_space<vmem>>)
    %scan3A_209 = arith.constant 0 : i32
    %scan3A_210 = arith.constant 0 : i32
    %scan3A_211 = arith.constant 512 : i32
    %scan3A_212 = arith.addi %scan3A_210, %scan3A_211 : i32
    %scan3A_213 = arith.constant 1 : i32
    scf.for %scan3A_215 = %scan3A_210 to %scan3A_212 step %scan3A_213  : i32 {
      %broadcast_in_dim3A = vector.broadcast %scan3A_215 : i32 to vector<16xi32>
      %get3A_216 = arith.index_cast %scan3A_215 : i32 to index
      %get3A_217 = arith.constant 0 : index
      %get3A_218 = tpu.vector_load %arg6[%get3A_216, %get3A_217] {strides = array<i32>} : memref<512x32xf32, #tpu.memory_space<vmem>>, vector<16xf32>,
      %iota3A = tpu.iota {dimensions = array<i32: 0>} : vector<16xi32>
      %add3A_219 = arith.constant 0 : i32
      %add3A_220 = vector.broadcast %add3A_219 : i32 to vector<16xi32>
      %add3A_221 = arith.addi %iota3A, %add3A_220 : vector<16xi32>
      tpu.vector_store_idx %arg7[%add3A_221, %broadcast_in_dim3A], %get3A_218 : memref<32x512xf32, #tpu.memory_space<vmem>>[vector<16xi32>, vector<16xi32>], vector<16xf32>,
      %get3A_222 = arith.index_cast %scan3A_215 : i32 to index
      %get3A_223 = arith.constant 16 : index
      %get3A_224 = tpu.vector_load %arg6[%get3A_222, %get3A_223] {strides = array<i32>} : memref<512x32xf32, #tpu.memory_space<vmem>>, vector<16xf32>,
      %iota3A_225 = tpu.iota {dimensions = array<i32: 0>} : vector<16xi32>
      %add3A_226 = arith.constant 16 : i32
      %add3A_227 = vector.broadcast %add3A_226 : i32 to vector<16xi32>
      %add3A_228 = arith.addi %iota3A_225, %add3A_227 : vector<16xi32>
      tpu.vector_store_idx %arg7[%add3A_228, %broadcast_in_dim3A], %get3A_224 : memref<32x512xf32, #tpu.memory_space<vmem>>[vector<16xi32>, vector<16xi32>], vector<16xf32>,
    }
    %scan3A_214 = arith.constant 512 : i32
    %multiple_of3A = tpu.assume_multiple %mul3A_2, 128 : i32
    "tpu.region"() ({
      %run_scoped3A = tpu.sem_alloc : memref<!tpu.dma_semaphore, #tpu.memory_space<semaphore_mem>>
      %dma_start3A_215 = arith.constant 0 : i32
      %dma_start3A_216 = tpu.memref_slice %arg4[%dma_start3A_215, %multiple_of3A] : memref<32x16384xf32, #tpu.memory_space<hbm>> -> memref<32x512xf32, #tpu.memory_space<hbm>>
      %dma_start3A_217 = arith.constant 0 : i32
      %dma_start3A_218 = tpu.memref_slice %arg4[%dma_start3A_217, %multiple_of3A] : memref<32x16384xf32, #tpu.memory_space<hbm>> -> memref<32x512xf32, #tpu.memory_space<hbm>>
      tpu.enqueue_dma source(%arg7 : memref<32x512xf32, #tpu.memory_space<vmem>>) target(%dma_start3A_218 : memref<32x512xf32, #tpu.memory_space<hbm>>) target_semaphore(%run_scoped3A : memref<!tpu.dma_semaphore, #tpu.memory_space<semaphore_mem>>)
      %dma_wait3A_219 = arith.constant 0 : i32
      %dma_wait3A_220 = tpu.memref_slice %arg4[%dma_wait3A_219, %multiple_of3A] : memref<32x16384xf32, #tpu.memory_space<hbm>> -> memref<32x512xf32, #tpu.memory_space<hbm>>
      %dma_wait3A_221 = arith.constant 0 : i32
      %dma_wait3A_222 = tpu.memref_slice %arg4[%dma_wait3A_221, %multiple_of3A] : memref<32x16384xf32, #tpu.memory_space<hbm>> -> memref<32x512xf32, #tpu.memory_space<hbm>>
      tpu.wait_dma2 semaphore(%run_scoped3A : memref<!tpu.dma_semaphore, #tpu.memory_space<semaphore_mem>>) src(%arg7 : memref<32x512xf32, #tpu.memory_space<vmem>>) dst(%dma_wait3A_222 : memref<32x512xf32, #tpu.memory_space<hbm>>)
      tpu.yield
    }) : () -> ()
    return
  }
}

</mosaic_0001>

<sc_bundles>
// kernel: kernel.3.cloned.1.call-start
scs
__scs_entry_jumppad:
0x0: {  	(pc) =	sbr.rel $0x88, $3  }
0x1: {  	(tag) =	ssettag $0x0;
	lr =	simm.s32 $0x1  }
0x2: {  	[smem:$0x3F9F] =	sst lr;
	_ =	strace $0xD0000000  }
0x3: {  	_ = 	snop  }
0x4: {  	_ = 	snop  }
0x5: {  	_ = 	snop  }
0x6: {  	_ = 	snop  }
0x7: {  	_ = 	snop  }
__scs_overlays_trampoline_lowered:
0x8: {  	[smem:$0x3FAE] =	sst s0  }
0x9: {  	[smem:$0x3FAF] =	sst s1  }
0xa: {  	[smem:$0x3FB0] =	sst s2  }
0xb: {  	[smem:$0x3FB1] =	sst s3  }
0xc: {  	[smem:$0x3FB2] =	sst s4  }
0xd: {  	[smem:$0x3FB3] =	sst s5  }
0xe: {  	[smem:$0x3FB4] =	sst s6  }
0xf: {  	[smem:$0x3FB5] =	sst s7  }
0x10: {  	[smem:$0x3FB6] =	sst s8  }
0x11: {  	[smem:$0x3FB7] =	sst s9;
	s0 =	simm.s32 @!p0 $0x0  }
0x12: {  	s1 =	sld [smem:$0x3F9D];
	s0 =	simm.s32 @p0 $0x1  }
0x13: {  	[smem:$0x3FB8] =	sst s0;
	s0 =	simm.s32 @!p1 $0x0  }
0x14: {  	s2 =	sld [smem:$0x3F9C];
	s0 =	simm.s32 @p1 $0x1  }
0x15: {  	[smem:$0x3FB9] =	sst s0;
	s0 =	simm.s32 @!p2 $0x0  }
0x16: {  	s3 =	sld [smem:$0x3FDB];
	s0 =	simm.s32 @p2 $0x1  }
0x17: {  	s4 =	simm.s32 $0x1BF5;
	[smem:$0x3FBB] =	sst s0  }
0x18: {  	s0 =	sld [smem:$0x3F9E];
	_ =	swait.ge [sflag:s4], $0x0  }
0x19: {  	s7 =	sld [smem:$0x3F9F]  }
0x1a: {  	s8 =	sadd.s32 $0xFFFFE003, lr  }
0x1b: {  	s9 =	sadd.s32 $0xFFFFFEF7, lr;
	s5 =	simm.s32 $0xFFFFFFFF;
	p2 =	slt.u32 s8, $0xFFFFF086  }
0x1c: {  	p1 =	slt.u32 s9, $0xF7A;
	s5 =	simm.s32 @!p2 $0x0  }
0x1d: {  	s5 =	simm.s32 @p1 $0x1;
	p0 =	seq.s32 s7, s2  }
0x1e: {  	s7 =	smul.u32 @!p0 $0xF7A, s2;
	p2 =	seq.s32 @!p0 s5, $0x0  }
0x1f: {  	s9 =	smul.u32 $0xF7A, s1;
	s8 =	simm.s32 @!p0 $0x1BF5;
	p2 =	por !p2, p0  }
0x20: {  	[sflag:s8] =	ssyncset.s32 @!p0 $0xFFFFF086;
	s6 =	sadd.s32 @!p0 s3, s7;
	s7 =	simm.s32 @!p0 $0x108  }
0x21: {  	s3 =	sadd.s32 s3, s9;
	s6 =	sadd.s32 @!p0 $0x88, s6;
	s7 =	simm.s32 @p2 $0x1082  }
0x22: {  	[simem:s7], [sflag:s8] =	dma.local @!p0 [hbm:s6], $0xF7A  }
0x23: {  	s9 =	sor.u32 $0xD0000000, s2;
	s6 =	simm.s32 $0x108;
	_ =	swait.ge @!p0 [sflag:s8], $0x0  }
0x24: {  	s3 =	sadd.s32 $0x88, s3;
	s6 =	simm.s32 @!p1 $0x1082;
	[sflag:s4] =	ssyncset.s32 $0xFFFFF086  }
0x25: {  	[simem:s6], [sflag:s4] =	dma.local [hbm:s3], $0xF7A  }
0x26: {  	[smem:$0x3F9F] =	sst s1;
	(tag) =	ssettag s2;
	_ =	strace s9  }
0x27: {  	s1 =	sld [smem:$0x3FAF]  }
0x28: {  	s2 =	sld [smem:$0x3FB0]  }
0x29: {  	s4 =	sld [smem:$0x3FB2]  }
0x2a: {  	p0 =	seq.s32 s5, $0x0;
	s5 =	sld [smem:$0x3FB3]  }
0x2b: {  	s6 =	sld [smem:$0x3FB4]  }
0x2c: {  	s7 =	sld [smem:$0x3FB5]  }
0x2d: {  	s3 =	simm.s32 $0x108;
	s8 =	sld [smem:$0x3FB6]  }
0x2e: {  	s3 =	simm.s32 @!p0 $0x1082;
	s9 =	sld [smem:$0x3FB7]  }
0x2f: {  	lr =	sadd.s32 s0, s3;
	s0 =	sld [smem:$0x3FAE]  }
0x30: {  	s3 =	sld [smem:$0x3FB1]  }
0x31: {  	[smem:$0x3FBA] =	sst s10  }
0x32: {  	s10 =	sld [smem:$0x3FB8];
	_ =	sdelay $0x3  }
0x33: {  	p0 =	seq.s32 s10, $0x1;
	s10 =	sld [smem:$0x3FBA];
	_ =	sdelay $0x3  }
0x34: {  	[smem:$0x3FBA] =	sst s10  }
0x35: {  	s10 =	sld [smem:$0x3FB9];
	_ =	sdelay $0x3  }
0x36: {  	p1 =	seq.s32 s10, $0x1;
	s10 =	sld [smem:$0x3FBA];
	_ =	sdelay $0x3  }
0x37: {  	[smem:$0x3FBA] =	sst s10  }
0x38: {  	s10 =	sld [smem:$0x3FBB]  }
0x39: {  	_ = 	snop;
	(pc) =	sbr.ind lr, $3  }
0x3a: {  	_ = 	snop  }
0x3b: {  	_ = 	snop  }
0x3c: {  	p2 =	seq.s32 s10, $0x1;
	s10 =	sld [smem:$0x3FBA]  }
0x3d: {  	_ =	shalt  }
0x3e: {  	_ =	shalt  }
0x3f: {  	_ =	shalt  }
0x40: {  	_ =	shalt  }
0x41: {  	_ =	shalt  }
0x42: {  	_ =	shalt  }
0x43: {  	_ =	shalt  }
0x44: {  	_ =	shalt  }
0x45: {  	_ =	shalt  }
0x46: {  	_ =	shalt  }
0x47: {  	_ =	shalt  }
0x48: {  	_ =	shalt  }
0x49: {  	_ =	shalt  }
0x4a: {  	_ =	shalt  }
0x4b: {  	_ =	shalt  }
0x4c: {  	_ =	shalt  }
0x4d: {  	_ =	shalt  }
0x4e: {  	_ =	shalt  }
0x4f: {  	_ =	shalt  }
0x50: {  	_ =	shalt  }
0x51: {  	_ =	shalt  }
0x52: {  	_ =	shalt  }
0x53: {  	_ =	shalt  }
0x54: {  	_ =	shalt  }
0x55: {  	_ =	shalt  }
0x56: {  	_ =	shalt  }
0x57: {  	_ =	shalt  }
0x58: {  	_ =	shalt  }
0x59: {  	_ =	shalt  }
0x5a: {  	_ =	shalt  }
0x5b: {  	_ =	shalt  }
0x5c: {  	_ =	shalt  }
0x5d: {  	_ =	shalt  }
0x5e: {  	_ =	shalt  }
0x5f: {  	_ =	shalt  }
0x60: {  	_ =	shalt  }
0x61: {  	_ =	shalt  }
0x62: {  	_ =	shalt  }
0x63: {  	_ =	shalt  }
0x64: {  	_ =	shalt  }
0x65: {  	_ =	shalt  }
0x66: {  	_ =	shalt  }
0x67: {  	_ =	shalt  }
0x68: {  	_ =	shalt  }
0x69: {  	_ =	shalt  }
0x6a: {  	_ =	shalt  }
0x6b: {  	_ =	shalt  }
0x6c: {  	_ =	shalt  }
0x6d: {  	_ =	shalt  }
0x6e: {  	_ =	shalt  }
0x6f: {  	_ =	shalt  }
0x70: {  	_ =	shalt  }
0x71: {  	_ =	shalt  }
0x72: {  	_ =	shalt  }
0x73: {  	_ =	shalt  }
0x74: {  	_ =	shalt  }
0x75: {  	_ =	shalt  }
0x76: {  	_ =	shalt  }
0x77: {  	_ =	shalt  }
0x78: {  	_ =	shalt  }
0x79: {  	_ =	shalt  }
0x7a: {  	_ =	shalt  }
0x7b: {  	_ =	shalt  }
0x7c: {  	_ =	shalt  }
0x7d: {  	_ =	shalt  }
0x7e: {  	_ =	shalt  }
0x7f: {  	_ =	shalt  }
0x80: {  	_ =	shalt  }
0x81: {  	_ =	shalt  }
0x82: {  	_ =	shalt  }
0x83: {  	_ =	shalt  }
0x84: {  	_ =	shalt  }
0x85: {  	_ =	shalt  }
0x86: {  	_ =	shalt  }
0x87: {  	_ =	shalt  }
.Lfunc_end0:
.L_simem_size_0:
called_computation_lowered:
.L_overlay_start_0:
0x88: {  	s2 =	sld [smem:$0x3FD9]  }
0x89: {  	s3 =	sld [smem:$0x3FFE];
	_ =	sdelay $0x1  }
0x8a: {  	s1 =	srdreg.scid  }
0x8b: {  	s0 =	sand.u32 $0x1, s1  }
0x8c: {  	s17 =	sshll.u32 s0, $0xA;
	s2 =	sadd.s32 s3, s2  }
0x8d: {  	s2 =	sadd.s32 s2, s17  }
0x8e: {  	[smem:$0x3FC6] =	sst s2  }
0x8f: {  	_ = 	snop  }
0x90: {  	s2 =	sld [smem:$0x3FC9]  }
0x91: {  	s18 =	sld [smem:$0x3FD0];
	(tm) =	ssettm $0x1  }
0x92: {  	s4 =	sld [smem:$0x3FFB];
	_ =	sdelay $0x3  }
0x93: {  	_ =	strace s4  }
0x94: {  	s4 =	sld [smem:$0x3FFC];
	_ =	sdelay $0x3  }
0x95: {  	_ =	strace s4  }
0x96: {  	s4 =	sld [smem:$0x3FFD];
	_ =	sdelay $0x3  }
0x97: {  	_ =	strace s4  }
0x98: {  	_ =	strace $0x8FFFFFFF  }
0x99: {  	s19 =	sld [smem:$0x3FDB];
	_ =	sdelay $0x1  }
0x9a: {  	s5 =	simm.s32 $_scs_section_size  }
0x9b: {  	s6 =	simm.s32 $_size__tile_overlayer_lowered;
	s7 =	simm.s32 $_tile_overlayer_lowered  }
0x9c: {  	s22 =	simm.s32 $0x1BFF;
	s21 =	sshll.u32 s7, $0x1;
	s4 =	sadd.s32 s5, s19  }
0x9d: {  	s8 =	simm.s32 $0x0;
	s20 =	sshll.u32 s6, $0x1;
	s6 =	sadd.s32 s21, s4  }
0x9e: {  	[timem:s8], [sflag:s22] =	dma.local [hbm:s6], s20  }
0x9f: {  	_ =	swait.ge [sflag:s22], s20  }
0xa0: {  	s5 =	ssub.s32 $0x0, s20;
	[sflag:s22] =	ssyncset.done $0x0  }
0xa1: {  	[sflag:s22] =	ssyncadd.s32 s5;
	_ =	sdelay $0x1  }
0xa2: {  	s23 =	simm.s32 $0x1B8B  }
0xa3: {  	_ =	swait.ge [sflag:s23], $0x1  }
0xa4: {  	[sflag:s23] =	ssyncset.done $0x0  }
0xa5: {  	s25 =	simm.s32 $0x1B8E;
	s24 =	sld [smem:$0x3FFE];
	[sflag:s23] =	ssyncadd.s32 $0xFFFFFFFF  }
0xa6: {  	s26 =	simm.s32 $execute0_lowered;
	[smem:$0x3FD2] =	sst s25  }
0xa7: {  	s6 =	sshll.u32 s26, $0x1;
	_ =	strace $0x80000046;
	[dreg:$0x1] =	wrdreg $0xFFFFFFFF  }
0xa8: {  	s28 =	simm.s32 $_size_execute0_lowered;
	s4 =	sadd.s32 s4, s6;
	[dreg:$0x0] =	wrdreg $0x0  }
0xa9: {  	s6 =	sshll.u32 s28, $0x1;
	[dreg:$0x2] =	wrdreg s4  }
0xaa: {  	[dreg:$0x3] =	wrdreg s6  }
0xab: {  	[dreg:$0x4] =	wrdreg $0xC0  }
0xac: {  	_ =	task [dreg:s8], $0x5FFFF  }
0xad: {  	[dreg:$0x1] =	wrdreg $0xFFFFFFFF  }
0xae: {  	[dreg:$0x0] =	wrdreg $0x60  }
0xaf: {  	[dreg:$0x2] =	wrdreg s2  }
0xb0: {  	[dreg:$0x3] =	wrdreg s24  }
0xb1: {  	[dreg:$0x4] =	wrdreg s18  }
0xb2: {  	[dreg:$0x5] =	wrdreg $0x9  }
0xb3: {  	_ =	task.clear_ibuf [dreg:s8], $0x6FFFF;
	_ =	strace $0x90000046  }
0xb4: {  	s29 =	simm.s32 $0x9;
	_ =	strace $0x80000048  }
0xb5: {  	_ =	swait.ge [sflag:s29], $0x1  }
0xb6: {  	[sflag:s29] =	ssyncadd.s32 $0xFFFFFFFF  }
0xb7: {  	_ =	strace $0x90000048  }
0xb8: {  	_ =	sfence  }
0xb9: {  	s30 =	sld [smem:$0x0];
	_ =	sdelay $0x2  }
0xba: {  	s31 =	sshll.u32 s1, $0xD;
	s1 =	sshrl.u32 s1, $0x2  }
0xbb: {  	s3 =	sand.u32 $0x4000, s31;
	s1 =	sadd.s32 s1, s30  }
0xbc: {  	s0 =	sor.u32 s3, s0;
	s1 =	sshll.u32 s1, $0x11  }
0xbd: {  	s0 =	sor.u32 s1, s0  }
0xbe: {  	s0 =	sadd.s32 $0x8F2B, s0  }
0xbf: {  	[sflag:s0] =	ssyncadd.remote.s32 $0x1  }
0xc0: {  	_ =	sfence.sel $0xFFFF  }
0xc1: {  	[dreg:$0x0] =	wrdreg $0xFFFFFFFF;
	(pc) =	sbr.abs _section_cstart, $3  }
0xc2: {  	[dreg:$0x1] =	wrdreg $0xFFFFFFFF  }
0xc3: {  	_ =	task.clear_ibuf [dreg:s8], $0x2FFFF;
	_ =	strace $0x9FFFFFFF  }
0xc4: {  	(tm) =	ssettm $0x7FFFFFFF  }
0xc5: {  	_ =	shalt  }
tec
execute0_lowered:
.L_overlay_start_1:
0x0: {  	(tag) =	ssettag $0x1  }
0x1: {  	v0 =	vimm.s32 $0x1380;
	vm0 =	vcmask $0x300;
	v1 =	vimm.s32 $0x3380  }
0x2: {  	vm1 =	vcmask $0x704;
	v0 =	vsel vm0, $0x0, v0;
	v1 =	vsel vm0, $0x2000, v1  }
0x3: {  	vm15 =	vcmask $0xB08;
	v0 =	vsel vm1, $0x80, v0;
	v1 =	vsel vm1, $0x2080, v1  }
0x4: {  	vm4 =	vcmask $0xF0C;
	v0 =	vsel vm15, $0x100, v0;
	v1 =	vsel vm15, $0x2100, v1  }
0x5: {  	vm5 =	vcmask $0x1310;
	v0 =	vsel vm4, $0x180, v0;
	v1 =	vsel vm4, $0x2180, v1  }
0x6: {  	s0 =	rddreg [dreg:$0x0];
	vm6 =	vcmask $0x1714;
	v0 =	vsel vm5, $0x200, v0;
	v1 =	vsel vm5, $0x2200, v1  }
0x7: {  	s1 =	rddreg [dreg:$0x1];
	vm7 =	vcmask $0x1B18;
	v0 =	vsel vm6, $0x280, v0;
	v1 =	vsel vm6, $0x2280, v1  }
0x8: {  	s5 =	rddreg [dreg:$0x2];
	vm8 =	vcmask $0x1F1C;
	v0 =	vsel vm7, $0x300, v0;
	v1 =	vsel vm7, $0x2300, v1  }
0x9: {  	s2 =	srdreg.scid;
	s4 =	stileid.u32;
	vm9 =	vcmask $0x2320;
	v0 =	vsel vm8, $0x380, v0;
	v1 =	vsel vm8, $0x2380, v1  }
0xa: {  	vm10 =	vcmask $0x2724;
	s24 =	simm.s32 $0x1;
	s25 =	simm.s32 $0x10200;
	s26 =	simm.s32 $0x1000;
	v0 =	vsel vm9, $0x1000, v0;
	v1 =	vsel vm9, $0x3000, v1  }
0xb: {  	vm11 =	vcmask $0x2B28;
	s28 =	simm.s32 $0x20000;
	s29 =	simm.s32 $0x0;
	s3 =	sand.u32 $0x1, s2;
	v0 =	vsel vm10, $0x1080, v0;
	v1 =	vsel vm10, $0x3080, v1  }
0xc: {  	vm12 =	vcmask $0x2F2C;
	s2 =	simm.s32 $0x0;
	s4 =	sshll.u32 s4, $0xA;
	s6 =	sshll.u32 s3, $0x9;
	v0 =	vsel vm11, $0x1100, v0;
	v1 =	vsel vm11, $0x3100, v1  }
0xd: {  	vm13 =	vcmask $0x3330;
	[smem:$0x7FF] =	sst s2;
	s7 =	ssub.s32 $0x2, s3;
	s3 =	sadd.s32 $0x400, s1;
	v0 =	vsel vm12, $0x1180, v0;
	v1 =	vsel vm12, $0x3180, v1  }
0xe: {  	vm14 =	vcmask $0x3734;
	s6 =	sor.u32 s6, s4;
	_ =	strace $0x80000047;
	s30 =	sshrl.u32 s7, $0x1;
	v0 =	vsel vm13, $0x1200, v0;
	v1 =	vsel vm13, $0x3200, v1  }
0xf: {  	vm15 =	vcmask $0x3B38;
	s8 =	sshrl.u32 s6, $0x3;
	s31 =	ssub.s32 s7, s30;
	s5 =	sadd.s32 s5, s6;
	v0 =	vsel vm14, $0x1280, v0;
	v1 =	vsel vm14, $0x3280, v1  }
0x10: {  	s7 =	simm.s32 $0x2;
	s4 =	sadd.s32 s0, s8;
	s6 =	smax.u32 s31, $0x1;
	v0 =	vsel vm15, $0x1300, v0;
	v1 =	vsel vm15, $0x3300, v1  }
.LBB2_1:
0x11: {  	[tilespmem:s2], [sflag:$0x2] =	stream.linear.gather [hbm4b:s4+s2], $0x200, $0x38;
	[tilespmem:$0x14200] =	vst v63  }
0x12: {  	_ =	swait.ge [sflag:s7], $0x200  }
0x13: {  	[sflag:s7] =	ssyncset.done $0x0  }
0x14: {  	[sflag:s7] =	ssyncadd.s32 $0xFFFFFE00  }
0x15: {  	v2 =	vld [tilespmem:$0x0];
	_ =	sdelay $0x4  }
0x16: {  	v2 =	vshll.u32 v2, $0x4  }
0x17: {  	(v2sf) =	vpush v2, $0x0;
	_ =	sdelay $0x6  }
0x18: {  	(v2sf) =	vpush v2, $0x1;
	_ =	sdelay $0x2  }
0x19: {  	(v2sf) =	vpush v2, $0x2;
	_ =	sdelay $0x2  }
0x1a: {  	(v2sf) =	vpush v2, $0x3;
	_ =	sdelay $0x1  }
0x1b: {  	s0 =	spop (v2sf);
	(v2sf) =	vpush v2, $0x4;
	_ =	sdelay $0x1  }
0x1c: {  	(v2sf) =	vpush v2, $0x5;
	_ =	sdelay $0x1  }
0x1d: {  	(v2sf) =	vpush v2, $0x6;
	_ =	sdelay $0x1  }
0x1e: {  	s0 =	sand.u32 $0x1FFFFFF0, s0  }
0x1f: {  	s1 =	simm.s32 $0x200;
	s10 =	spop (v2sf);
	s0 =	sadd.s32 s3, s0;
	(v2sf) =	vpush v2, $0x7  }
0x20: {  	[tilespmem:s1], [sflag:$0x1] =	stream.linear.gather [hbm4b:s0+s2], $0x80, $0x38;
	[tilespmem:$0x14200] =	vst v63  }
0x21: {  	s0 =	sand.u32 $0x1FFFFFF0, s10  }
0x22: {  	s11 =	simm.s32 $0x280;
	s12 =	spop (v2sf);
	s0 =	sadd.s32 s3, s0  }
0x23: {  	[tilespmem:s11], [sflag:$0x1] =	stream.linear.gather [hbm4b:s0+s2], $0x80, $0x38;
	[tilespmem:$0x14200] =	vst v63  }
0x24: {  	s0 =	sand.u32 $0x1FFFFFF0, s12  }
0x25: {  	s13 =	simm.s32 $0x300;
	s14 =	spop (v2sf);
	s0 =	sadd.s32 s3, s0  }
0x26: {  	[tilespmem:s13], [sflag:$0x1] =	stream.linear.gather [hbm4b:s0+s2], $0x80, $0x38;
	[tilespmem:$0x14200] =	vst v63  }
0x27: {  	s16 =	spop (v2sf);
	(v2sf) =	vpush v2, $0x8  }
0x28: {  	s0 =	sand.u32 $0x1FFFFFF0, s14  }
0x29: {  	s15 =	simm.s32 $0x380;
	s0 =	sadd.s32 s3, s0;
	s18 =	spop (v2sf);
	(v2sf) =	vpush v2, $0x9  }
0x2a: {  	[tilespmem:s15], [sflag:$0x1] =	stream.linear.gather [hbm4b:s0+s2], $0x80, $0x38;
	[tilespmem:$0x14200] =	vst v63  }
0x2b: {  	s0 =	sand.u32 $0x1FFFFFF0, s16;
	s20 =	spop (v2sf);
	(v2sf) =	vpush v2, $0xA  }
0x2c: {  	s17 =	simm.s32 $0x400;
	s0 =	sadd.s32 s3, s0  }
0x2d: {  	[tilespmem:s17], [sflag:$0x1] =	stream.linear.gather [hbm4b:s0+s2], $0x80, $0x38;
	[tilespmem:$0x14200] =	vst v63  }
0x2e: {  	s22 =	spop (v2sf);
	(v2sf) =	vpush v2, $0xB  }
0x2f: {  	s0 =	sand.u32 $0x1FFFFFF0, s18  }
0x30: {  	s19 =	simm.s32 $0x480;
	s0 =	sadd.s32 s3, s0  }
0x31: {  	[tilespmem:s19], [sflag:$0x1] =	stream.linear.gather [hbm4b:s0+s2], $0x80, $0x38;
	[tilespmem:$0x14200] =	vst v63  }
0x32: {  	s0 =	sand.u32 $0x1FFFFFF0, s20  }
0x33: {  	s21 =	simm.s32 $0x500;
	s0 =	sadd.s32 s3, s0  }
0x34: {  	[tilespmem:s21], [sflag:$0x1] =	stream.linear.gather [hbm4b:s0+s2], $0x80, $0x38;
	[tilespmem:$0x14200] =	vst v63  }
0x35: {  	s0 =	sand.u32 $0x1FFFFFF0, s22  }
0x36: {  	s23 =	simm.s32 $0x580;
	s0 =	sadd.s32 s3, s0;
	s8 =	spop (v2sf);
	(v2sf) =	vpush v2, $0xC  }
0x37: {  	[tilespmem:s23], [sflag:$0x1] =	stream.linear.gather [hbm4b:s0+s2], $0x80, $0x38;
	[tilespmem:$0x14200] =	vst v63  }
0x38: {  	s10 =	spop (v2sf);
	(v2sf) =	vpush v2, $0xD  }
0x39: {  	s0 =	sand.u32 $0x1FFFFFF0, s8  }
0x3a: {  	s9 =	simm.s32 $0x600;
	s0 =	sadd.s32 s3, s0;
	s12 =	spop (v2sf)  }
0x3b: {  	(v2sf) =	vpush v2, $0xE;
	[tilespmem:s9], [sflag:$0x1] =	stream.linear.gather [hbm4b:s0+s2], $0x80, $0x38;
	[tilespmem:$0x14200] =	vst v63  }
0x3c: {  	s0 =	sand.u32 $0x1FFFFFF0, s10  }
0x3d: {  	s11 =	simm.s32 $0x680;
	s14 =	spop (v2sf);
	s0 =	sadd.s32 s3, s0  }
0x3e: {  	(v2sf) =	vpush v2, $0xF;
	[tilespmem:s11], [sflag:$0x1] =	stream.linear.gather [hbm4b:s0+s2], $0x80, $0x38;
	[tilespmem:$0x14200] =	vst v63  }
0x3f: {  	s0 =	sand.u32 $0x1FFFFFF0, s12  }
0x40: {  	s13 =	simm.s32 $0x700;
	s0 =	sadd.s32 s3, s0  }
0x41: {  	[tilespmem:s13], [sflag:$0x1] =	stream.linear.gather [hbm4b:s0+s2], $0x80, $0x38;
	[tilespmem:$0x14200] =	vst v63  }
0x42: {  	s0 =	sand.u32 $0x1FFFFFF0, s14  }
0x43: {  	s15 =	simm.s32 $0x780;
	s0 =	sadd.s32 s3, s0  }
0x44: {  	[tilespmem:s15], [sflag:$0x1] =	stream.linear.gather [hbm4b:s0+s2], $0x80, $0x38;
	[tilespmem:$0x14200] =	vst v63  }
0x45: {  	s16 =	spop (v2sf)  }
0x46: {  	s0 =	sand.u32 $0x1FFFFFF0, s16  }
0x47: {  	s17 =	simm.s32 $0x800;
	s18 =	spop (v2sf);
	s0 =	sadd.s32 s3, s0  }
0x48: {  	[tilespmem:s17], [sflag:$0x1] =	stream.linear.gather [hbm4b:s0+s2], $0x80, $0x38;
	[tilespmem:$0x14200] =	vst v63  }
0x49: {  	s0 =	sand.u32 $0x1FFFFFF0, s18  }
0x4a: {  	s19 =	simm.s32 $0x880;
	s20 =	spop (v2sf);
	s0 =	sadd.s32 s3, s0  }
0x4b: {  	[tilespmem:s19], [sflag:$0x1] =	stream.linear.gather [hbm4b:s0+s2], $0x80, $0x38;
	[tilespmem:$0x14200] =	vst v63  }
0x4c: {  	s0 =	sand.u32 $0x1FFFFFF0, s20  }
0x4d: {  	s21 =	simm.s32 $0x900;
	s22 =	spop (v2sf);
	s0 =	sadd.s32 s3, s0  }
0x4e: {  	[tilespmem:s21], [sflag:$0x1] =	stream.linear.gather [hbm4b:s0+s2], $0x80, $0x38;
	[tilespmem:$0x14200] =	vst v63  }
0x4f: {  	s0 =	sand.u32 $0x1FFFFFF0, s22  }
0x50: {  	s31 =	simm.s32 $0x10;
	s23 =	simm.s32 $0x980;
	s0 =	sadd.s32 s3, s0  }
0x51: {  	[tilespmem:s23], [sflag:$0x1] =	stream.linear.gather [hbm4b:s0+s2], $0x80, $0x38;
	[tilespmem:$0x14200] =	vst v63  }
0x52: {  	v2 =	vld [tilespmem:s31+$0x0];
	_ =	sdelay $0x4  }
0x53: {  	v2 =	vshll.u32 v2, $0x4  }
0x54: {  	(v2sf) =	vpush v2, $0x0  }
0x55: {  	(v2sf) =	vpush v2, $0x1  }
0x56: {  	(v2sf) =	vpush v2, $0x2;
	_ =	sdelay $0x1  }
0x57: {  	(v2sf) =	vpush v2, $0x4;
	_ =	sdelay $0x1  }
0x58: {  	(v2sf) =	vpush v2, $0x3  }
0x59: {  	(v2sf) =	vpush v2, $0x5  }
0x5a: {  	s30 =	simm.s32 $0x0;
	s0 =	simm.s32 $0x2000;
	(v2sf) =	vpush v2, $0x6  }
.LBB2_2:
0x5b: {  	p0 =	sne.s32 s0, $0x3C000  }
0x5c: {  	s16 =	sadd.s32 $0xA80, s30;
	s10 =	sadd.s32 $0xF80, s30;
	s1 =	smov.u32 s0  }
0x5d: {  	s0 =	sadd.s32 $0x2000, s0;
	s13 =	sadd.s32 $0xD80, s30;
	s8 =	sadd.s32 $0x1000, s30;
	(v2sf) =	vpush v2, $0x7  }
0x5e: {  	s15 =	sadd.s32 $0xC80, s30;
	s12 =	sadd.s32 $0xE00, s30;
	s9 =	sadd.s32 $0x1080, s30  }
0x5f: {  	s17 =	sadd.s32 $0xA00, s30;
	s18 =	sadd.s32 $0xC00, s30;
	(v2sf) =	vpush v2, $0x8  }
0x60: {  	s19 =	sadd.s32 $0xD00, s30  }
0x61: {  	s20 =	sadd.s32 $0xB00, s30;
	s11 =	sadd.s32 $0xF00, s30;
	s14 =	spop (v2sf);
	(v2sf) =	vpush v2, $0x9  }
0x62: {  	s21 =	sand.u32 $0x1FFFFFF0, s14;
	s14 =	sadd.s32 $0xE80, s30;
	s22 =	spop (v2sf)  }
0x63: {  	s21 =	sadd.s32 s3, s21;
	s22 =	sand.u32 $0x1FFFFFF0, s22;
	s23 =	spop (v2sf);
	(v2sf) =	vpush v2, $0xA  }
0x64: {  	[tilespmem:s17], [sflag:$0x1] =	stream.linear.gather [hbm4b:s21+s2], $0x80, $0x38;
	[tilespmem:$0x14200] =	vst v63  }
0x65: {  	s17 =	sadd.s32 s3, s22;
	s21 =	sadd.s32 $0xB80, s30;
	s22 =	spop (v2sf);
	(v2sf) =	vpush v2, $0xB  }
0x66: {  	[tilespmem:s16], [sflag:$0x1] =	stream.linear.gather [hbm4b:s17+s2], $0x80, $0x38;
	[tilespmem:$0x14200] =	vst v63  }
0x67: {  	s16 =	sand.u32 $0x1FFFFFF0, s23;
	s17 =	sand.u32 $0x1FFFFFF0, s22;
	s22 =	spop (v2sf);
	(v2sf) =	vpush v2, $0xC  }
0x68: {  	s16 =	sadd.s32 s3, s16;
	s22 =	sand.u32 $0x1FFFFFF0, s22;
	s23 =	spop (v2sf)  }
0x69: {  	[tilespmem:s20], [sflag:$0x1] =	stream.linear.gather [hbm4b:s16+s2], $0x80, $0x38;
	(v2sf) =	vpush v2, $0xD;
	[tilespmem:$0x14200] =	vst v63  }
0x6a: {  	s16 =	sadd.s32 s3, s22;
	s20 =	sand.u32 $0x1FFFFFF0, s23;
	s22 =	spop (v2sf)  }
0x6b: {  	[tilespmem:s21], [sflag:$0x1] =	stream.linear.gather [hbm4b:s16+s2], $0x80, $0x38;
	(v2sf) =	vpush v2, $0xE;
	[tilespmem:$0x14200] =	vst v63  }
0x6c: {  	s16 =	sadd.s32 s3, s17;
	s17 =	sand.u32 $0x1FFFFFF0, s22;
	s21 =	spop (v2sf)  }
0x6d: {  	[tilespmem:s18], [sflag:$0x1] =	stream.linear.gather [hbm4b:s16+s2], $0x80, $0x38;
	(v2sf) =	vpush v2, $0xF;
	[tilespmem:$0x14200] =	vst v63  }
0x6e: {  	s16 =	sadd.s32 s3, s20;
	s18 =	sand.u32 $0x1FFFFFF0, s21;
	s20 =	spop (v2sf)  }
0x6f: {  	[tilespmem:s15], [sflag:$0x1] =	stream.linear.gather [hbm4b:s16+s2], $0x80, $0x38;
	[tilespmem:$0x14200] =	vst v63  }
0x70: {  	s15 =	sadd.s32 s3, s17;
	s16 =	sand.u32 $0x1FFFFFF0, s20;
	s17 =	spop (v2sf)  }
0x71: {  	[tilespmem:s19], [sflag:$0x1] =	stream.linear.gather [hbm4b:s15+s2], $0x80, $0x38;
	[tilespmem:$0x14200] =	vst v63  }
0x72: {  	s15 =	sadd.s32 s3, s18;
	s17 =	sand.u32 $0x1FFFFFF0, s17;
	s18 =	spop (v2sf)  }
0x73: {  	[tilespmem:s13], [sflag:$0x1] =	stream.linear.gather [hbm4b:s15+s2], $0x80, $0x38;
	[tilespmem:$0x14200] =	vst v63  }
0x74: {  	s13 =	sadd.s32 s3, s16;
	s15 =	sand.u32 $0x1FFFFFF0, s18;
	s16 =	spop (v2sf)  }
0x75: {  	[tilespmem:s12], [sflag:$0x1] =	stream.linear.gather [hbm4b:s13+s2], $0x80, $0x38;
	[tilespmem:$0x14200] =	vst v63  }
0x76: {  	s12 =	sadd.s32 s3, s17;
	s13 =	sand.u32 $0x1FFFFFF0, s16;
	s16 =	spop (v2sf)  }
0x77: {  	[tilespmem:s14], [sflag:$0x1] =	stream.linear.gather [hbm4b:s12+s2], $0x80, $0x38;
	[tilespmem:$0x14200] =	vst v63  }
0x78: {  	s12 =	sadd.s32 s3, s15;
	s14 =	sand.u32 $0x1FFFFFF0, s16;
	s15 =	spop (v2sf)  }
0x79: {  	[tilespmem:s11], [sflag:$0x1] =	stream.linear.gather [hbm4b:s12+s2], $0x80, $0x38;
	[tilespmem:$0x14200] =	vst v63  }
0x7a: {  	s11 =	sadd.s32 s3, s13;
	s12 =	sand.u32 $0x1FFFFFF0, s15;
	s13 =	spop (v2sf)  }
0x7b: {  	[tilespmem:s10], [sflag:$0x1] =	stream.linear.gather [hbm4b:s11+s2], $0x80, $0x38;
	[tilespmem:$0x14200] =	vst v63  }
0x7c: {  	s10 =	sadd.s32 s3, s14;
	s11 =	sand.u32 $0x1FFFFFF0, s13;
	s13 =	spop (v2sf)  }
0x7d: {  	[tilespmem:s8], [sflag:$0x1] =	stream.linear.gather [hbm4b:s10+s2], $0x80, $0x38;
	[tilespmem:$0x14200] =	vst v63  }
0x7e: {  	s8 =	sadd.s32 s3, s12;
	s10 =	sand.u32 $0x1FFFFFF0, s13  }
0x7f: {  	[tilespmem:s9], [sflag:$0x1] =	stream.linear.gather [hbm4b:s8+s2], $0x80, $0x38;
	[tilespmem:$0x14200] =	vst v63  }
0x80: {  	s31 =	sadd.s32 $0x10, s31;
	s8 =	sadd.s32 $0x1100, s30;
	s9 =	sadd.s32 s3, s11  }
0x81: {  	[tilespmem:s8], [sflag:$0x1] =	stream.linear.gather [hbm4b:s9+s2], $0x80, $0x38;
	[tilespmem:$0x14200] =	vst v63  }
0x82: {  	s8 =	sadd.s32 $0x1180, s30;
	s9 =	sadd.s32 s3, s10  }
0x83: {  	[tilespmem:s8], [sflag:$0x1] =	stream.linear.gather [hbm4b:s9+s2], $0x80, $0x38;
	[tilespmem:$0x14200] =	vst v63  }
0x84: {  	_ =	swait.ge [sflag:s24], $0x800  }
0x85: {  	[sflag:s24] =	ssyncset.done $0x0  }
0x86: {  	[sflag:s24] =	ssyncadd.s32 $0xFFFFF800  }
0x87: {  	v2 =	vld [tilespmem:s31+$0x0];
	_ =	sdelay $0x4  }
0x88: {  	v2 =	vshll.u32 v2, $0x4  }
0x89: {  	(v2sf) =	vpush v2, $0x0  }
0x8a: {  	(v2sf) =	vpush v2, $0x1  }
0x8b: {  	(v2sf) =	vpush v2, $0x2;
	_ =	sdelay $0x1  }
0x8c: {  	(v2sf) =	vpush v2, $0x4  }
.Ltmp0:
0x8d: {  	(pc) =	sbr.rel @p0 .LBB2_2-.Ltmp0, $3  }
0x8e: {  	(v2sf) =	vpush v2, $0x3  }
0x8f: {  	(v2sf) =	vpush v2, $0x5;
	_ =	sdelay $0x1  }
0x90: {  	s30 =	sshra.s32 s1, $0x2;
	(v2sf) =	vpush v2, $0x6  }
0x91: {  	_ =	sdelay $0x1  }
0x92: {  	s9 =	sadd.s32 $0xA80, s30;
	s8 =	sadd.s32 $0xF80, s30  }
0x93: {  	s10 =	sadd.s32 $0xD80, s30;
	s0 =	sadd.s32 $0x1000, s30;
	(v2sf) =	vpush v2, $0x7;
	s11 =	sadd.s32 $0xC80, s30  }
0x94: {  	s12 =	sadd.s32 $0xE00, s30;
	s1 =	sadd.s32 $0x1080, s30;
	s13 =	sadd.s32 $0xA00, s30  }
0x95: {  	s14 =	sadd.s32 $0xC00, s30;
	s15 =	sadd.s32 $0xD00, s30;
	(v2sf) =	vpush v2, $0x8;
	s16 =	spop (v2sf)  }
0x96: {  	s17 =	sadd.s32 $0xB00, s30;
	s16 =	sand.u32 $0x1FFFFFF0, s16;
	s18 =	spop (v2sf)  }
0x97: {  	(v2sf) =	vpush v2, $0x9;
	s16 =	sadd.s32 s3, s16;
	s18 =	sand.u32 $0x1FFFFFF0, s18;
	s19 =	spop (v2sf)  }
0x98: {  	[tilespmem:s13], [sflag:$0x1] =	stream.linear.gather [hbm4b:s16+s2], $0x80, $0x38;
	[tilespmem:$0x14200] =	vst v63  }
0x99: {  	s20 =	sadd.s32 $0xB80, s30;
	(v2sf) =	vpush v2, $0xA;
	s23 =	sadd.s32 s3, s18;
	s31 =	spop (v2sf)  }
0x9a: {  	[tilespmem:s9], [sflag:$0x1] =	stream.linear.gather [hbm4b:s23+s2], $0x80, $0x38;
	[tilespmem:$0x14200] =	vst v63  }
0x9b: {  	s13 =	sadd.s32 $0xF00, s30;
	s21 =	sand.u32 $0x1FFFFFF0, s19;
	(v2sf) =	vpush v2, $0xB;
	s22 =	spop (v2sf)  }
0x9c: {  	s16 =	sadd.s32 s3, s21;
	s9 =	sadd.s32 $0xE80, s30;
	s19 =	sand.u32 $0x1FFFFFF0, s22  }
0x9d: {  	(v2sf) =	vpush v2, $0xC;
	[tilespmem:s17], [sflag:$0x1] =	stream.linear.gather [hbm4b:s16+s2], $0x80, $0x38;
	[tilespmem:$0x14200] =	vst v63  }
0x9e: {  	s23 =	sand.u32 $0x1FFFFFF0, s31;
	s31 =	spop (v2sf);
	s21 =	sadd.s32 s3, s19  }
0x9f: {  	(v2sf) =	vpush v2, $0xD;
	[tilespmem:s20], [sflag:$0x1] =	stream.linear.gather [hbm4b:s21+s2], $0x80, $0x38;
	[tilespmem:$0x14200] =	vst v63  }
0xa0: {  	s16 =	sadd.s32 s3, s23;
	s17 =	sand.u32 $0x1FFFFFF0, s31;
	s22 =	spop (v2sf)  }
0xa1: {  	(v2sf) =	vpush v2, $0xE;
	[tilespmem:s14], [sflag:$0x1] =	stream.linear.gather [hbm4b:s16+s2], $0x80, $0x38;
	[tilespmem:$0x14200] =	vst v63  }
0xa2: {  	s17 =	sadd.s32 s3, s17;
	s23 =	sand.u32 $0x1FFFFFF0, s22;
	s31 =	spop (v2sf)  }
0xa3: {  	(v2sf) =	vpush v2, $0xF;
	[tilespmem:s11], [sflag:$0x1] =	stream.linear.gather [hbm4b:s17+s2], $0x80, $0x38;
	[tilespmem:$0x14200] =	vst v63  }
0xa4: {  	s18 =	sand.u32 $0x1FFFFFF0, s31;
	s19 =	spop (v2sf);
	s14 =	sadd.s32 s3, s23  }
0xa5: {  	[tilespmem:s15], [sflag:$0x1] =	stream.linear.gather [hbm4b:s14+s2], $0x80, $0x38;
	[tilespmem:$0x14200] =	vst v63  }
0xa6: {  	s20 =	sand.u32 $0x1FFFFFF0, s19;
	s11 =	sadd.s32 s3, s18;
	s21 =	spop (v2sf)  }
0xa7: {  	[tilespmem:s10], [sflag:$0x1] =	stream.linear.gather [hbm4b:s11+s2], $0x80, $0x38;
	[tilespmem:$0x14200] =	vst v63  }
0xa8: {  	s14 =	sadd.s32 s3, s20;
	s22 =	sand.u32 $0x1FFFFFF0, s21;
	s23 =	spop (v2sf)  }
0xa9: {  	[tilespmem:s12], [sflag:$0x1] =	stream.linear.gather [hbm4b:s14+s2], $0x80, $0x38;
	[tilespmem:$0x14200] =	vst v63  }
0xaa: {  	s11 =	sand.u32 $0x1FFFFFF0, s23;
	s10 =	sadd.s32 s3, s22;
	s31 =	spop (v2sf)  }
0xab: {  	[tilespmem:s9], [sflag:$0x1] =	stream.linear.gather [hbm4b:s10+s2], $0x80, $0x38;
	[tilespmem:$0x14200] =	vst v63  }
0xac: {  	s11 =	sadd.s32 s3, s11;
	s14 =	sand.u32 $0x1FFFFFF0, s31;
	s15 =	spop (v2sf)  }
0xad: {  	[tilespmem:s13], [sflag:$0x1] =	stream.linear.gather [hbm4b:s11+s2], $0x80, $0x38;
	[tilespmem:$0x14200] =	vst v63  }
0xae: {  	s9 =	sadd.s32 s3, s14;
	s10 =	sand.u32 $0x1FFFFFF0, s15;
	s16 =	spop (v2sf)  }
0xaf: {  	[tilespmem:s8], [sflag:$0x1] =	stream.linear.gather [hbm4b:s9+s2], $0x80, $0x38;
	[tilespmem:$0x14200] =	vst v63  }
0xb0: {  	s17 =	sand.u32 $0x1FFFFFF0, s16;
	s10 =	sadd.s32 s3, s10;
	s18 =	spop (v2sf)  }
0xb1: {  	[tilespmem:s0], [sflag:$0x1] =	stream.linear.gather [hbm4b:s10+s2], $0x80, $0x38;
	[tilespmem:$0x14200] =	vst v63  }
0xb2: {  	s19 =	sand.u32 $0x1FFFFFF0, s18;
	s20 =	spop (v2sf);
	s8 =	sadd.s32 s3, s17  }
0xb3: {  	[tilespmem:s1], [sflag:$0x1] =	stream.linear.gather [hbm4b:s8+s2], $0x80, $0x38;
	[tilespmem:$0x14200] =	vst v63  }
0xb4: {  	s22 =	sadd.s32 $0x1100, s30;
	s21 =	sand.u32 $0x1FFFFFF0, s20;
	s0 =	sadd.s32 s3, s19  }
0xb5: {  	[tilespmem:s22], [sflag:$0x1] =	stream.linear.gather [hbm4b:s0+s2], $0x80, $0x38;
	[tilespmem:$0x14200] =	vst v63  }
0xb6: {  	s23 =	sadd.s32 $0x1180, s30;
	s1 =	sadd.s32 s3, s21  }
0xb7: {  	[tilespmem:s23], [sflag:$0x1] =	stream.linear.gather [hbm4b:s1+s2], $0x80, $0x38;
	[tilespmem:$0x14200] =	vst v63  }
0xb8: {  	_ =	swait.ge [sflag:s24], $0x800  }
0xb9: {  	s30 =	simm.s32 $0x0;
	[sflag:s24] =	ssyncset.done $0x0  }
0xba: {  	v2 =	vmov s30;
	[sflag:s24] =	ssyncadd.s32 $0xFFFFF800  }
0xbb: {  	v3 =	vshll.u32 v2, $0x3;
	_ =	swait.ge [sflag:s24], $0x800  }
0xbc: {  	v2 =	vand.u32 $0x7F, v2;
	v3 =	vand.u32 $0xC00, v3;
	[sflag:s24] =	ssyncset.done $0x0  }
0xbd: {  	v3 =	vor.u32 v2, v3;
	s0 =	simm.s32 $0x210;
	[sflag:s24] =	ssyncadd.s32 $0xFFFFF800  }
0xbe: {  	v4 =	vor.u32 v0, v3;
	v2 =	vld [tilespmem:s0+$0xFFFFFFF0];
	_ =	sdelay $0x4  }
0xbf: {  	[tilespmem:v4+s25+$0x0] =	vst.idx.msk $0xffff, v2  }
0xc0: {  	v3 =	vor.u32 v1, v3;
	v2 =	vld [tilespmem:s0+$0x0]  }
0xc1: {  	s31 =	simm.s32 $0x1  }
0xc2: {  	s1 =	simm.s32 $0x2;
	v4 =	vmov s31  }
.LBB2_4:
0xc3: {  	p0 =	sne.s32 s1, $0x1FF;
	v5 =	vshll.u32 v4, $0x3  }
0xc4: {  	v4 =	vand.u32 $0x7F, v4;
	v5 =	vand.u32 $0xC00, v5  }
0xc5: {  	s0 =	sadd.s32 $0x80, s0;
	v4 =	vor.u32 v4, v5;
	[tilespmem:v3+s25+$0x0] =	vst.idx.msk $0xffff, v2  }
0xc6: {  	v2 =	vld [tilespmem:s0+$0xFFFFFFF0];
	v3 =	vor.u32 v0, v4;
	_ =	sdelay $0x3  }
.Ltmp1:
0xc7: {  	(pc) =	sbr.rel @p0 .LBB2_4-.Ltmp1, $3  }
0xc8: {  	[tilespmem:v3+s25+$0x0] =	vst.idx.msk $0xffff, v2  }
0xc9: {  	v3 =	vor.u32 v1, v4;
	v2 =	vld [tilespmem:s0+$0x0];
	_ =	sdelay $0x1  }
0xca: {  	v4 =	vmov s1;
	s1 =	sadd.s32 $0x1, s1  }
0xcb: {  	_ =	sdelay $0x1  }
0xcc: {  	v5 =	vshll.u32 v4, $0x3  }
0xcd: {  	v63 =	vand.u32 $0x7F, v4;
	v5 =	vand.u32 $0xC00, v5  }
0xce: {  	s0 =	sadd.s32 $0x80, s0;
	v4 =	vor.u32 v63, v5;
	[tilespmem:v3+s25+$0x0] =	vst.idx.msk $0xffff, v2  }
0xcf: {  	v2 =	vld [tilespmem:s0+$0xFFFFFFF0];
	v3 =	vor.u32 v0, v4;
	_ =	sdelay $0x4  }
0xd0: {  	[tilespmem:v3+s25+$0x0] =	vst.idx.msk $0xffff, v2  }
0xd1: {  	v3 =	vor.u32 v1, v4;
	v2 =	vld [tilespmem:s0+$0x0];
	_ =	sdelay $0x2  }
0xd2: {  	s29 =	sadd.s32 $0x1, s29  }
0xd3: {  	p0 =	sne.s32 s29, s6  }
.Ltmp2:
0xd4: {  	[tilespmem:v3+s25+$0x0] =	vst.idx.msk $0xffff, v2;
	(pc) =	sbr.rel @p0 .LBB2_1-.Ltmp2, $4  }
0xd5: {  	[hbm4b:s5+s26] =	stream.strided.scatter [tilespmem:s25], [sflag:$0x2], $0x4000, s28, s26, $0x38;
	[tilespmem:$0x14200] =	vst v63  }
0xd6: {  	_ =	swait.ge [sflag:s7], $0x4000  }
0xd7: {  	[sflag:s7] =	ssyncset.done $0x0  }
0xd8: {  	[sflag:s7] =	ssyncadd.s32 $0xFFFFC000  }
0xd9: {  	_ =	sfence.sel $0x180000  }
0xda: {  	[bflag:$0x0] =	sbarrier.arrive $0xFFFF  }
0xdb: {  	_ =	strace $0x90000047  }
0xdc: {  	s0 =	stileid.u32;
	[bflag:$0x2] =	sbarrier.arrive $0xFFFF  }
0xdd: {  	p0 =	sne.s32 s0, $0x0;
	s0 =	rddreg [dreg:$0x3]  }
0xde: {  	s0 =	sadd.s32 @!p0 $0x100000, s0  }
0xdf: {  	[sflag:s0] =	ssyncadd.tile.s32 @!p0 $0x1;
	_ =	shalt  }
.Lfunc_end2:
_tile_overlayer_lowered:
.L_overlay_start_2:
0xe0: {  	(tag) =	ssettag $0x2  }
0xe1: {  	s0 =	rddreg [dreg:$0x0];
	s2 =	stileid.u32  }
0xe2: {  	s1 =	rddreg [dreg:$0x1];
	p0 =	sne.s32 s2, $0x0  }
0xe3: {  	s3 =	rddreg [dreg:$0x2];
	[bflag:$0x3] =	sbarrier.arrive $0xFFFF;
	s2 =	simm.s32 @!p0 $0x1C02  }
0xe4: {  	[timem:s3], [sflag:s2] =	dma.local @!p0 [hbm:s0], s1  }
0xe5: {  	s0 =	simm.s32 @!p0 $0x2  }
0xe6: {  	_ =	swait.ge @!p0 [sflag:s0], s1  }
0xe7: {  	s1 =	ssub.s32 @!p0 $0x0, s1;
	[sflag:s0] =	ssyncset.done @!p0 $0x0  }
0xe8: {  	[sflag:s0] =	ssyncadd.s32 @!p0 s1  }
0xe9: {  	[bflag:$0x3] =	sbarrier.arrive $0xFFFF  }
0xea: {  	_ =	shalt  }

</sc_bundles>
